<compile_context>
chip_gen: v7x
topology: tpu7x:2x2x1
jax: 0.10.2.dev20260603
libtpu: 0.0.44.dev20260713+nightly
codegen_flags: <defaults>
</compile_context>

<pallas_src>
import functools

import jax
import jax.numpy as jnp
from jax import lax
from jax.experimental import pallas as pl
from jax.experimental.pallas import tpu as pltpu
from jax.experimental.pallas import tpu_sc as plsc

K = 2
BM = 64
TB = 128
NBLK = 128
NW = 32


def _gate_body(x_ref, gw_ref, w_ref, i_ref):
    xb = x_ref[...]
    logits = lax.dot_general(xb, gw_ref[...], (((1,), (1,)), ((), ())),
                             preferred_element_type=jnp.float32)
    m = jnp.max(logits, axis=1, keepdims=True)
    ex = jnp.exp(logits - m)
    s = ex / jnp.sum(ex, axis=1, keepdims=True)
    n_e = s.shape[1]
    iota = lax.broadcasted_iota(jnp.int32, s.shape, 1)
    m1 = jnp.max(s, axis=1, keepdims=True)
    i1 = jnp.min(jnp.where(s == m1, iota, n_e), axis=1, keepdims=True)
    s2 = jnp.where(iota == i1, -1.0, s)
    m2 = jnp.max(s2, axis=1, keepdims=True)
    i2 = jnp.min(jnp.where(s2 == m2, iota, n_e), axis=1, keepdims=True)
    w_ref[...] = jnp.concatenate([m1, m2], axis=1)
    i_ref[...] = jnp.concatenate([i1, i2], axis=1).astype(jnp.int32)


def _shared_body(x_ref, sg_ref, su_ref, sd_ref, ysh_ref):
    xb16 = x_ref[...].astype(jnp.bfloat16)
    a = jnp.dot(xb16, sg_ref[...], preferred_element_type=jnp.float32)
    b = jnp.dot(xb16, su_ref[...], preferred_element_type=jnp.float32)
    h = (jax.nn.silu(a) * b).astype(jnp.bfloat16)
    ysh_ref[...] = jnp.dot(h, sd_ref[...], preferred_element_type=jnp.float32)


def _route_body(ti_ref, p0_ref, p1_ref, plan_ref):
    g = pl.program_id(0)
    e = ti_ref[...]
    t = e.shape[0]
    rb = p0_ref.shape[0]
    n_e = 64
    iota_e = lax.broadcasted_iota(jnp.int32, (t, n_e), 1)
    oh0 = (e[:, 0:1] == iota_e)
    oh1 = (e[:, 1:2] == iota_e)
    both = oh0.astype(jnp.bfloat16) + oh1.astype(jnp.bfloat16)
    counts = jnp.sum(both.astype(jnp.float32), axis=0, keepdims=True)
    blocks = jnp.ceil(counts * (1.0 / BM))
    rr = lax.broadcasted_iota(jnp.int32, (n_e, n_e), 0)
    cc = lax.broadcasted_iota(jnp.int32, (n_e, n_e), 1)
    w_lt = (rr < cc).astype(jnp.float32)
    startblk = jnp.dot(blocks, w_lt, preferred_element_type=jnp.float32)
    seg_start = startblk * BM
    row_i = lax.broadcasted_iota(jnp.int32, (rb, t), 0) + g * rb
    col_i = lax.broadcasted_iota(jnp.int32, (rb, t), 1)
    mask = (col_i < row_i).astype(jnp.bfloat16)
    below = jnp.dot(mask, both, preferred_element_type=jnp.float32)
    iota_eb = lax.broadcasted_iota(jnp.int32, (rb, n_e), 1)
    eb = ti_ref[pl.ds(g * rb, rb), :]
    oh0b = (eb[:, 0:1] == iota_eb).astype(jnp.float32)
    oh1b = (eb[:, 1:2] == iota_eb).astype(jnp.float32)
    base = below + seg_start
    p0 = jnp.sum(oh0b * base, axis=1, keepdims=True)
    p1 = jnp.sum(oh1b * (base + oh0b), axis=1, keepdims=True)
    p0_ref[...] = p0.astype(jnp.int32)
    p1_ref[...] = p1.astype(jnp.int32)
    iota_b = lax.broadcasted_iota(jnp.int32, (NBLK, n_e), 0)
    plan = jnp.sum((startblk.astype(jnp.int32) <= iota_b).astype(jnp.int32),
                   axis=1, keepdims=True) - 1
    plan_ref[...] = plan


def _expert_body(plan_ref, xs_ref, g_ref, u_ref, d_ref, out_ref):
    xb = xs_ref[...].astype(jnp.bfloat16)
    g16 = g_ref[0].astype(jnp.bfloat16)
    u16 = u_ref[0].astype(jnp.bfloat16)
    d16 = d_ref[0].astype(jnp.bfloat16)
    a = jnp.dot(xb, g16, preferred_element_type=jnp.float32)
    b = jnp.dot(xb, u16, preferred_element_type=jnp.float32)
    h = (jax.nn.silu(a) * b).astype(jnp.bfloat16)
    out_ref[...] = jnp.dot(h, d16, preferred_element_type=jnp.float32)


def _combine_body(g0_ref, g1_ref, w_ref, ysh_ref, y_ref):
    w = w_ref[...]
    y_ref[...] = (g0_ref[...] * w[:, 0:1] + g1_ref[...] * w[:, 1:2]
                  + ysh_ref[...])


def _make_dispatch(t, d, r, tw):
    mesh = plsc.VectorSubcoreMesh(core_axis_name="c", subcore_axis_name="s")

    @functools.partial(
        pl.kernel, mesh=mesh,
        out_type=jax.ShapeDtypeStruct((r, d), jnp.float32),
        scratch_types=[
            pltpu.VMEM((tw,), jnp.int32),
            pltpu.VMEM((tw,), jnp.int32),
            pltpu.VMEM((tw, d), jnp.float32),
            pltpu.SemaphoreType.DMA,
        ],
    )
    def dispatch(x_hbm, pos0_hbm, pos1_hbm, out_hbm, i0_v, i1_v, rows_v, sem):
        wid = lax.axis_index("s") * 2 + lax.axis_index("c")
        base = wid * tw
        pltpu.sync_copy(pos0_hbm.at[pl.ds(base, tw)], i0_v)
        pltpu.sync_copy(pos1_hbm.at[pl.ds(base, tw)], i1_v)
        pltpu.sync_copy(x_hbm.at[pl.ds(base, tw)], rows_v)
        a = pltpu.async_copy(rows_v, out_hbm.at[i0_v], sem)
        b = pltpu.async_copy(rows_v, out_hbm.at[i1_v], sem)
        a.wait()
        b.wait()

    return dispatch


def _make_gather(t, d, r, tw):
    mesh = plsc.VectorSubcoreMesh(core_axis_name="c", subcore_axis_name="s")

    @functools.partial(
        pl.kernel, mesh=mesh,
        out_type=[jax.ShapeDtypeStruct((t, d), jnp.float32),
                  jax.ShapeDtypeStruct((t, d), jnp.float32)],
        scratch_types=[
            pltpu.VMEM((tw,), jnp.int32),
            pltpu.VMEM((tw, d), jnp.float32),
            pltpu.SemaphoreType.DMA,
        ],
    )
    def gather(outp_hbm, pos0_hbm, pos1_hbm, g0_hbm, g1_hbm,
               i_v, r_v, sem):
        wid = lax.axis_index("s") * 2 + lax.axis_index("c")
        base = wid * tw
        pltpu.sync_copy(pos0_hbm.at[pl.ds(base, tw)], i_v)
        pltpu.async_copy(outp_hbm.at[i_v], r_v, sem).wait()
        pltpu.sync_copy(r_v, g0_hbm.at[pl.ds(base, tw)])
        pltpu.sync_copy(pos1_hbm.at[pl.ds(base, tw)], i_v)
        pltpu.async_copy(outp_hbm.at[i_v], r_v, sem).wait()
        pltpu.sync_copy(r_v, g1_hbm.at[pl.ds(base, tw)])

    return gather


def kernel(hidden_states, gate_w, gate_proj, up_proj, down_proj,
           sh_gate, sh_up, sh_down):
    orig_shape = hidden_states.shape
    n_e, d_model, d_ff = gate_proj.shape
    t = hidden_states.shape[0] * hidden_states.shape[1]
    r = NBLK * BM
    tw = t // NW
    x = hidden_states.reshape(t, d_model)

    sg16 = sh_gate.astype(jnp.bfloat16)
    su16 = sh_up.astype(jnp.bfloat16)
    sd16 = sh_down.astype(jnp.bfloat16)

    topk_w, topk_i = pl.pallas_call(
        _gate_body,
        grid=(t // TB,),
        in_specs=[
            pl.BlockSpec((TB, d_model), lambda b: (b, 0)),
            pl.BlockSpec(gate_w.shape, lambda b: (0, 0)),
        ],
        out_specs=[
            pl.BlockSpec((TB, K), lambda b: (b, 0)),
            pl.BlockSpec((TB, K), lambda b: (b, 0)),
        ],
        out_shape=[
            jax.ShapeDtypeStruct((t, K), jnp.float32),
            jax.ShapeDtypeStruct((t, K), jnp.int32),
        ],
    )(x, gate_w)

    rb = t // 16
    pos0, pos1, plan = pl.pallas_call(
        _route_body,
        grid=(16,),
        in_specs=[pl.BlockSpec((t, K), lambda g: (0, 0))],
        out_specs=[
            pl.BlockSpec((rb, 1), lambda g: (g, 0)),
            pl.BlockSpec((rb, 1), lambda g: (g, 0)),
            pl.BlockSpec((NBLK, 1), lambda g: (0, 0)),
        ],
        out_shape=[
            jax.ShapeDtypeStruct((t, 1), jnp.int32),
            jax.ShapeDtypeStruct((t, 1), jnp.int32),
            jax.ShapeDtypeStruct((NBLK, 1), jnp.int32),
        ],
    )(topk_i)
    pos0 = pos0.reshape(t)
    pos1 = pos1.reshape(t)
    plan = plan.reshape(NBLK)

    xs = _make_dispatch(t, d_model, r, tw)(x, pos0, pos1)

    ysh = pl.pallas_call(
        _shared_body,
        grid=(t // TB,),
        in_specs=[
            pl.BlockSpec((TB, d_model), lambda b: (b, 0)),
            pl.BlockSpec(sg16.shape, lambda b: (0, 0)),
            pl.BlockSpec(su16.shape, lambda b: (0, 0)),
            pl.BlockSpec(sd16.shape, lambda b: (0, 0)),
        ],
        out_specs=pl.BlockSpec((TB, d_model), lambda b: (b, 0)),
        out_shape=jax.ShapeDtypeStruct((t, d_model), jnp.float32),
    )(x, sg16, su16, sd16)

    out_pairs = pl.pallas_call(
        _expert_body,
        grid_spec=pltpu.PrefetchScalarGridSpec(
            num_scalar_prefetch=1,
            grid=(NBLK,),
            in_specs=[
                pl.BlockSpec((BM, d_model), lambda b, pr: (b, 0)),
                pl.BlockSpec((1, d_model, d_ff), lambda b, pr: (pr[b], 0, 0)),
                pl.BlockSpec((1, d_model, d_ff), lambda b, pr: (pr[b], 0, 0)),
                pl.BlockSpec((1, d_ff, d_model), lambda b, pr: (pr[b], 0, 0)),
            ],
            out_specs=pl.BlockSpec((BM, d_model), lambda b, pr: (b, 0)),
        ),
        out_shape=jax.ShapeDtypeStruct((r, d_model), jnp.float32),
    )(plan, xs, gate_proj, up_proj, down_proj)

    g0, g1 = _make_gather(t, d_model, r, tw)(out_pairs, pos0, pos1)

    y = pl.pallas_call(
        _combine_body,
        grid=(t // TB,),
        in_specs=[
            pl.BlockSpec((TB, d_model), lambda b: (b, 0)),
            pl.BlockSpec((TB, d_model), lambda b: (b, 0)),
            pl.BlockSpec((TB, K), lambda b: (b, 0)),
            pl.BlockSpec((TB, d_model), lambda b: (b, 0)),
        ],
        out_specs=pl.BlockSpec((TB, d_model), lambda b: (b, 0)),
        out_shape=jax.ShapeDtypeStruct((t, d_model), jnp.float32),
    )(g0, g1, topk_w, ysh)

    return y.reshape(orig_shape)

# --- scband reference (transcript-rebuilt; emitter-appended) ---
"""Pipeline reference for scband-deepseek-v2-mo-eblock-31310311587978 (READ-ONLY COPY).

The authoritative reference and input builder live on the scoring server;
editing this copy changes nothing except your own understanding.
"""

import jax, jax.numpy as jnp
import numpy as np

E = 64        # n_routed_experts
TOPK = 2      # num_experts_per_tok
D = 1024      # hidden_size
DFF = 512     # moe_intermediate_size
NSHARED = 2   # n_shared_experts
B, S = 1, 2048


def _mlp(x, g, u, d):
    # DeepseekV2MLP: down_proj(silu(gate_proj(x)) * up_proj(x))
    return (jax.nn.silu(x @ g) * (x @ u)) @ d


def setup_inputs(seed: int = 0) -> dict:
    key = jax.random.key(seed)
    ks = jax.random.split(key, 8)
    hidden_states = jax.random.normal(ks[0], (B, S, D), dtype=jnp.float32)
    gate_w = jax.random.normal(ks[1], (E, D), dtype=jnp.float32) * 0.02       # MoEGate weight
    gate_proj = jax.random.normal(ks[2], (E, D, DFF), dtype=jnp.float32) * 0.02
    up_proj = jax.random.normal(ks[3], (E, D, DFF), dtype=jnp.float32) * 0.02
    down_proj = jax.random.normal(ks[4], (E, DFF, D), dtype=jnp.float32) * 0.02
    sh_gate = jax.random.normal(ks[5], (D, DFF * NSHARED), dtype=jnp.float32) * 0.02
    sh_up = jax.random.normal(ks[6], (D, DFF * NSHARED), dtype=jnp.float32) * 0.02
    sh_down = jax.random.normal(ks[7], (DFF * NSHARED, D), dtype=jnp.float32) * 0.02
    return {
        'hidden_states': hidden_states,
        'gate_w': gate_w,
        'gate_proj': gate_proj,
        'up_proj': up_proj,
        'down_proj': down_proj,
        'sh_gate': sh_gate,
        'sh_up': sh_up,
        'sh_down': sh_down,
    }


def reference(hidden_states, gate_w, gate_proj, up_proj, down_proj, sh_gate, sh_up, sh_down):
    identity = hidden_states
    x = hidden_states.reshape(-1, D)
    # MoEGate: softmax scores -> top-k (eval mode, no aux loss)
    logits = x @ gate_w.T
    scores = jax.nn.softmax(logits, axis=-1)
    topk_weight, topk_idx = jax.lax.top_k(scores, TOPK)
    # The stable argsort dispatch followed by the scatter-overwrite unsort is an
    # exact inverse pair: output pair i equals mlp_{topk_idx[i]}(x[i // TOPK]).
    # Compute each expert's MLP densely over all tokens (static expert count
    # derived from gate_proj.shape[0]) and gather per (token, slot) pair.
    expert_out = jax.vmap(_mlp, in_axes=(None, 0, 0, 0))(x, gate_proj, up_proj, down_proj)
    tok = jnp.arange(x.shape[0])
    new_x = expert_out[topk_idx, tok[:, None]]
    y = (new_x * topk_weight[..., None]).sum(axis=1)
    # shared experts on the identity path
    y = y + _mlp(identity.reshape(-1, D), sh_gate, sh_up, sh_down)
    return y.reshape(hidden_states.shape)

if __name__ == "__main__":
    import jax
    _d = setup_inputs()
    print(jax.jit(kernel)(*tuple(_d.values())))

</pallas_src>

<mosaic_0001>
#map = affine_map<(d0, d1) -> (0, 0)>
#map1 = affine_map<(d0, d1) -> (0)>
module attributes {stable_mosaic.version = 14 : i64} {
  func.func @dispatch(%arg0: i32, %arg1: i32, %arg2: memref<2048x1024xf32, #tpu.memory_space<hbm>>, %arg3: memref<2048xi32, #tpu.memory_space<hbm>>, %arg4: memref<2048xi32, #tpu.memory_space<hbm>>, %arg5: memref<8192x1024xf32, #tpu.memory_space<hbm>>, %arg6: memref<64xi32, #tpu.memory_space<vmem>>, %arg7: memref<64xi32, #tpu.memory_space<vmem>>, %arg8: memref<64x1024xf32, #tpu.memory_space<vmem>>, %arg9: memref<!tpu.dma_semaphore, #tpu.memory_space<semaphore_mem>>) attributes {dimension_semantics = [#tpu.dimension_semantics<core_parallel>, #tpu.dimension_semantics<subcore_parallel>], iteration_bounds = array<i64: 2, 16>, scalar_prefetch = 0 : i64, scratch_operands = 4 : i64, tpu.core_type = #tpu.core_type<sc_vector_subcore>, window_params = [{transform_indices = #map}, {transform_indices = #map1}, {transform_indices = #map1}, {transform_indices = #map}]} {
    %mul3A = arith.constant 2 : i32
    %mul3A_0 = arith.muli %arg1, %mul3A : i32
    %add3A = arith.addi %mul3A_0, %arg0 : i32
    %mul3A_1 = arith.constant 64 : i32
    %mul3A_2 = arith.muli %add3A, %mul3A_1 : i32
    "tpu.region"() ({
      %run_scoped3A = tpu.sem_alloc : memref<!tpu.dma_semaphore, #tpu.memory_space<semaphore_mem>>
      %dma_start3A_13 = tpu.memref_slice %arg3[%mul3A_2] : memref<2048xi32, #tpu.memory_space<hbm>> -> memref<64xi32, #tpu.memory_space<hbm>>
      %dma_start3A_14 = tpu.memref_slice %arg3[%mul3A_2] : memref<2048xi32, #tpu.memory_space<hbm>> -> memref<64xi32, #tpu.memory_space<hbm>>
      tpu.enqueue_dma source(%dma_start3A_14 : memref<64xi32, #tpu.memory_space<hbm>>) target(%arg6 : memref<64xi32, #tpu.memory_space<vmem>>) target_semaphore(%run_scoped3A : memref<!tpu.dma_semaphore, #tpu.memory_space<semaphore_mem>>)
      %dma_wait3A_15 = tpu.memref_slice %arg3[%mul3A_2] : memref<2048xi32, #tpu.memory_space<hbm>> -> memref<64xi32, #tpu.memory_space<hbm>>
      %dma_wait3A_16 = tpu.memref_slice %arg3[%mul3A_2] : memref<2048xi32, #tpu.memory_space<hbm>> -> memref<64xi32, #tpu.memory_space<hbm>>
      tpu.wait_dma2 semaphore(%run_scoped3A : memref<!tpu.dma_semaphore, #tpu.memory_space<semaphore_mem>>) src(%dma_wait3A_16 : memref<64xi32, #tpu.memory_space<hbm>>) dst(%arg6 : memref<64xi32, #tpu.memory_space<vmem>>)
      tpu.yield
    }) : () -> ()
    "tpu.region"() ({
      %run_scoped3A = tpu.sem_alloc : memref<!tpu.dma_semaphore, #tpu.memory_space<semaphore_mem>>
      %dma_start3A_13 = tpu.memref_slice %arg4[%mul3A_2] : memref<2048xi32, #tpu.memory_space<hbm>> -> memref<64xi32, #tpu.memory_space<hbm>>
      %dma_start3A_14 = tpu.memref_slice %arg4[%mul3A_2] : memref<2048xi32, #tpu.memory_space<hbm>> -> memref<64xi32, #tpu.memory_space<hbm>>
      tpu.enqueue_dma source(%dma_start3A_14 : memref<64xi32, #tpu.memory_space<hbm>>) target(%arg7 : memref<64xi32, #tpu.memory_space<vmem>>) target_semaphore(%run_scoped3A : memref<!tpu.dma_semaphore, #tpu.memory_space<semaphore_mem>>)
      %dma_wait3A_15 = tpu.memref_slice %arg4[%mul3A_2] : memref<2048xi32, #tpu.memory_space<hbm>> -> memref<64xi32, #tpu.memory_space<hbm>>
      %dma_wait3A_16 = tpu.memref_slice %arg4[%mul3A_2] : memref<2048xi32, #tpu.memory_space<hbm>> -> memref<64xi32, #tpu.memory_space<hbm>>
      tpu.wait_dma2 semaphore(%run_scoped3A : memref<!tpu.dma_semaphore, #tpu.memory_space<semaphore_mem>>) src(%dma_wait3A_16 : memref<64xi32, #tpu.memory_space<hbm>>) dst(%arg7 : memref<64xi32, #tpu.memory_space<vmem>>)
      tpu.yield
    }) : () -> ()
    "tpu.region"() ({
      %run_scoped3A = tpu.sem_alloc : memref<!tpu.dma_semaphore, #tpu.memory_space<semaphore_mem>>
      %dma_start3A_13 = arith.constant 0 : i32
      %dma_start3A_14 = tpu.memref_slice %arg2[%mul3A_2, %dma_start3A_13] : memref<2048x1024xf32, #tpu.memory_space<hbm>> -> memref<64x1024xf32, #tpu.memory_space<hbm>>
      %dma_start3A_15 = arith.constant 0 : i32
      %dma_start3A_16 = tpu.memref_slice %arg2[%mul3A_2, %dma_start3A_15] : memref<2048x1024xf32, #tpu.memory_space<hbm>> -> memref<64x1024xf32, #tpu.memory_space<hbm>>
      tpu.enqueue_dma source(%dma_start3A_16 : memref<64x1024xf32, #tpu.memory_space<hbm>>) target(%arg8 : memref<64x1024xf32, #tpu.memory_space<vmem>>) target_semaphore(%run_scoped3A : memref<!tpu.dma_semaphore, #tpu.memory_space<semaphore_mem>>)
      %dma_wait3A_17 = arith.constant 0 : i32
      %dma_wait3A_18 = tpu.memref_slice %arg2[%mul3A_2, %dma_wait3A_17] : memref<2048x1024xf32, #tpu.memory_space<hbm>> -> memref<64x1024xf32, #tpu.memory_space<hbm>>
      %dma_wait3A_19 = arith.constant 0 : i32
      %dma_wait3A_20 = tpu.memref_slice %arg2[%mul3A_2, %dma_wait3A_19] : memref<2048x1024xf32, #tpu.memory_space<hbm>> -> memref<64x1024xf32, #tpu.memory_space<hbm>>
      tpu.wait_dma2 semaphore(%run_scoped3A : memref<!tpu.dma_semaphore, #tpu.memory_space<semaphore_mem>>) src(%dma_wait3A_20 : memref<64x1024xf32, #tpu.memory_space<hbm>>) dst(%arg8 : memref<64x1024xf32, #tpu.memory_space<vmem>>)
      tpu.yield
    }) : () -> ()
    %dma_start3A = arith.constant 0 : i32
    %dma_start3A_3 = arith.constant 0 : i32
    %dma_start3A_4 = tpu.memref_slice %arg5[%dma_start3A, %dma_start3A_3] : memref<8192x1024xf32, #tpu.memory_space<hbm>> -> memref<8192x1024xf32, #tpu.memory_space<hbm>>
    tpu.enqueue_indirect_dma source(%arg8 : memref<64x1024xf32, #tpu.memory_space<vmem>>) target(%dma_start3A_4 : memref<8192x1024xf32, #tpu.memory_space<hbm>>) offsets(%arg6 : memref<64xi32, #tpu.memory_space<vmem>>) semaphore(%arg9 : memref<!tpu.dma_semaphore, #tpu.memory_space<semaphore_mem>>)
    %dma_start3A_5 = arith.constant 0 : i32
    %dma_start3A_6 = arith.constant 0 : i32
    %dma_start3A_7 = tpu.memref_slice %arg5[%dma_start3A_5, %dma_start3A_6] : memref<8192x1024xf32, #tpu.memory_space<hbm>> -> memref<8192x1024xf32, #tpu.memory_space<hbm>>
    tpu.enqueue_indirect_dma source(%arg8 : memref<64x1024xf32, #tpu.memory_space<vmem>>) target(%dma_start3A_7 : memref<8192x1024xf32, #tpu.memory_space<hbm>>) offsets(%arg7 : memref<64xi32, #tpu.memory_space<vmem>>) semaphore(%arg9 : memref<!tpu.dma_semaphore, #tpu.memory_space<semaphore_mem>>)
    %dma_wait3A = arith.constant 0 : i32
    %dma_wait3A_8 = arith.constant 0 : i32
    %dma_wait3A_9 = tpu.memref_slice %arg5[%dma_wait3A, %dma_wait3A_8] : memref<8192x1024xf32, #tpu.memory_space<hbm>> -> memref<8192x1024xf32, #tpu.memory_space<hbm>>
    tpu.wait_indirect_dma semaphore(%arg9 : memref<!tpu.dma_semaphore, #tpu.memory_space<semaphore_mem>>) src(%arg8 : memref<64x1024xf32, #tpu.memory_space<vmem>>) dst(%dma_wait3A_9 : memref<8192x1024xf32, #tpu.memory_space<hbm>>)
    %dma_wait3A_10 = arith.constant 0 : i32
    %dma_wait3A_11 = arith.constant 0 : i32
    %dma_wait3A_12 = tpu.memref_slice %arg5[%dma_wait3A_10, %dma_wait3A_11] : memref<8192x1024xf32, #tpu.memory_space<hbm>> -> memref<8192x1024xf32, #tpu.memory_space<hbm>>
    tpu.wait_indirect_dma semaphore(%arg9 : memref<!tpu.dma_semaphore, #tpu.memory_space<semaphore_mem>>) src(%arg8 : memref<64x1024xf32, #tpu.memory_space<vmem>>) dst(%dma_wait3A_12 : memref<8192x1024xf32, #tpu.memory_space<hbm>>)
    return
  }
}

#map = affine_map<(d0, d1) -> (0, 0)>
#map1 = affine_map<(d0, d1) -> (0)>
module attributes {stable_mosaic.version = 14 : i64} {
  func.func @gather(%arg0: i32, %arg1: i32, %arg2: memref<8192x1024xf32, #tpu.memory_space<hbm>>, %arg3: memref<2048xi32, #tpu.memory_space<hbm>>, %arg4: memref<2048xi32, #tpu.memory_space<hbm>>, %arg5: memref<2048x1024xf32, #tpu.memory_space<hbm>>, %arg6: memref<2048x1024xf32, #tpu.memory_space<hbm>>, %arg7: memref<64xi32, #tpu.memory_space<vmem>>, %arg8: memref<64x1024xf32, #tpu.memory_space<vmem>>, %arg9: memref<!tpu.dma_semaphore, #tpu.memory_space<semaphore_mem>>) attributes {dimension_semantics = [#tpu.dimension_semantics<core_parallel>, #tpu.dimension_semantics<subcore_parallel>], iteration_bounds = array<i64: 2, 16>, scalar_prefetch = 0 : i64, scratch_operands = 3 : i64, tpu.core_type = #tpu.core_type<sc_vector_subcore>, window_params = [{transform_indices = #map}, {transform_indices = #map1}, {transform_indices = #map1}, {transform_indices = #map}, {transform_indices = #map}]} {
    %mul3A = arith.constant 2 : i32
    %mul3A_0 = arith.muli %arg1, %mul3A : i32
    %add3A = arith.addi %mul3A_0, %arg0 : i32
    %mul3A_1 = arith.constant 64 : i32
    %mul3A_2 = arith.muli %add3A, %mul3A_1 : i32
    "tpu.region"() ({
      %run_scoped3A = tpu.sem_alloc : memref<!tpu.dma_semaphore, #tpu.memory_space<semaphore_mem>>
      %dma_start3A_13 = tpu.memref_slice %arg3[%mul3A_2] : memref<2048xi32, #tpu.memory_space<hbm>> -> memref<64xi32, #tpu.memory_space<hbm>>
      %dma_start3A_14 = tpu.memref_slice %arg3[%mul3A_2] : memref<2048xi32, #tpu.memory_space<hbm>> -> memref<64xi32, #tpu.memory_space<hbm>>
      tpu.enqueue_dma source(%dma_start3A_14 : memref<64xi32, #tpu.memory_space<hbm>>) target(%arg7 : memref<64xi32, #tpu.memory_space<vmem>>) target_semaphore(%run_scoped3A : memref<!tpu.dma_semaphore, #tpu.memory_space<semaphore_mem>>)
      %dma_wait3A_15 = tpu.memref_slice %arg3[%mul3A_2] : memref<2048xi32, #tpu.memory_space<hbm>> -> memref<64xi32, #tpu.memory_space<hbm>>
      %dma_wait3A_16 = tpu.memref_slice %arg3[%mul3A_2] : memref<2048xi32, #tpu.memory_space<hbm>> -> memref<64xi32, #tpu.memory_space<hbm>>
      tpu.wait_dma2 semaphore(%run_scoped3A : memref<!tpu.dma_semaphore, #tpu.memory_space<semaphore_mem>>) src(%dma_wait3A_16 : memref<64xi32, #tpu.memory_space<hbm>>) dst(%arg7 : memref<64xi32, #tpu.memory_space<vmem>>)
      tpu.yield
    }) : () -> ()
    %dma_start3A = arith.constant 0 : i32
    %dma_start3A_3 = arith.constant 0 : i32
    %dma_start3A_4 = tpu.memref_slice %arg2[%dma_start3A, %dma_start3A_3] : memref<8192x1024xf32, #tpu.memory_space<hbm>> -> memref<8192x1024xf32, #tpu.memory_space<hbm>>
    tpu.enqueue_indirect_dma source(%dma_start3A_4 : memref<8192x1024xf32, #tpu.memory_space<hbm>>) target(%arg8 : memref<64x1024xf32, #tpu.memory_space<vmem>>) offsets(%arg7 : memref<64xi32, #tpu.memory_space<vmem>>) semaphore(%arg9 : memref<!tpu.dma_semaphore, #tpu.memory_space<semaphore_mem>>)
    %dma_wait3A = arith.constant 0 : i32
    %dma_wait3A_5 = arith.constant 0 : i32
    %dma_wait3A_6 = tpu.memref_slice %arg2[%dma_wait3A, %dma_wait3A_5] : memref<8192x1024xf32, #tpu.memory_space<hbm>> -> memref<8192x1024xf32, #tpu.memory_space<hbm>>
    tpu.wait_indirect_dma semaphore(%arg9 : memref<!tpu.dma_semaphore, #tpu.memory_space<semaphore_mem>>) src(%dma_wait3A_6 : memref<8192x1024xf32, #tpu.memory_space<hbm>>) dst(%arg8 : memref<64x1024xf32, #tpu.memory_space<vmem>>)
    "tpu.region"() ({
      %run_scoped3A = tpu.sem_alloc : memref<!tpu.dma_semaphore, #tpu.memory_space<semaphore_mem>>
      %dma_start3A_13 = arith.constant 0 : i32
      %dma_start3A_14 = tpu.memref_slice %arg5[%mul3A_2, %dma_start3A_13] : memref<2048x1024xf32, #tpu.memory_space<hbm>> -> memref<64x1024xf32, #tpu.memory_space<hbm>>
      %dma_start3A_15 = arith.constant 0 : i32
      %dma_start3A_16 = tpu.memref_slice %arg5[%mul3A_2, %dma_start3A_15] : memref<2048x1024xf32, #tpu.memory_space<hbm>> -> memref<64x1024xf32, #tpu.memory_space<hbm>>
      tpu.enqueue_dma source(%arg8 : memref<64x1024xf32, #tpu.memory_space<vmem>>) target(%dma_start3A_16 : memref<64x1024xf32, #tpu.memory_space<hbm>>) target_semaphore(%run_scoped3A : memref<!tpu.dma_semaphore, #tpu.memory_space<semaphore_mem>>)
      %dma_wait3A_17 = arith.constant 0 : i32
      %dma_wait3A_18 = tpu.memref_slice %arg5[%mul3A_2, %dma_wait3A_17] : memref<2048x1024xf32, #tpu.memory_space<hbm>> -> memref<64x1024xf32, #tpu.memory_space<hbm>>
      %dma_wait3A_19 = arith.constant 0 : i32
      %dma_wait3A_20 = tpu.memref_slice %arg5[%mul3A_2, %dma_wait3A_19] : memref<2048x1024xf32, #tpu.memory_space<hbm>> -> memref<64x1024xf32, #tpu.memory_space<hbm>>
      tpu.wait_dma2 semaphore(%run_scoped3A : memref<!tpu.dma_semaphore, #tpu.memory_space<semaphore_mem>>) src(%arg8 : memref<64x1024xf32, #tpu.memory_space<vmem>>) dst(%dma_wait3A_20 : memref<64x1024xf32, #tpu.memory_space<hbm>>)
      tpu.yield
    }) : () -> ()
    "tpu.region"() ({
      %run_scoped3A = tpu.sem_alloc : memref<!tpu.dma_semaphore, #tpu.memory_space<semaphore_mem>>
      %dma_start3A_13 = tpu.memref_slice %arg4[%mul3A_2] : memref<2048xi32, #tpu.memory_space<hbm>> -> memref<64xi32, #tpu.memory_space<hbm>>
      %dma_start3A_14 = tpu.memref_slice %arg4[%mul3A_2] : memref<2048xi32, #tpu.memory_space<hbm>> -> memref<64xi32, #tpu.memory_space<hbm>>
      tpu.enqueue_dma source(%dma_start3A_14 : memref<64xi32, #tpu.memory_space<hbm>>) target(%arg7 : memref<64xi32, #tpu.memory_space<vmem>>) target_semaphore(%run_scoped3A : memref<!tpu.dma_semaphore, #tpu.memory_space<semaphore_mem>>)
      %dma_wait3A_15 = tpu.memref_slice %arg4[%mul3A_2] : memref<2048xi32, #tpu.memory_space<hbm>> -> memref<64xi32, #tpu.memory_space<hbm>>
      %dma_wait3A_16 = tpu.memref_slice %arg4[%mul3A_2] : memref<2048xi32, #tpu.memory_space<hbm>> -> memref<64xi32, #tpu.memory_space<hbm>>
      tpu.wait_dma2 semaphore(%run_scoped3A : memref<!tpu.dma_semaphore, #tpu.memory_space<semaphore_mem>>) src(%dma_wait3A_16 : memref<64xi32, #tpu.memory_space<hbm>>) dst(%arg7 : memref<64xi32, #tpu.memory_space<vmem>>)
      tpu.yield
    }) : () -> ()
    %dma_start3A_7 = arith.constant 0 : i32
    %dma_start3A_8 = arith.constant 0 : i32
    %dma_start3A_9 = tpu.memref_slice %arg2[%dma_start3A_7, %dma_start3A_8] : memref<8192x1024xf32, #tpu.memory_space<hbm>> -> memref<8192x1024xf32, #tpu.memory_space<hbm>>
    tpu.enqueue_indirect_dma source(%dma_start3A_9 : memref<8192x1024xf32, #tpu.memory_space<hbm>>) target(%arg8 : memref<64x1024xf32, #tpu.memory_space<vmem>>) offsets(%arg7 : memref<64xi32, #tpu.memory_space<vmem>>) semaphore(%arg9 : memref<!tpu.dma_semaphore, #tpu.memory_space<semaphore_mem>>)
    %dma_wait3A_10 = arith.constant 0 : i32
    %dma_wait3A_11 = arith.constant 0 : i32
    %dma_wait3A_12 = tpu.memref_slice %arg2[%dma_wait3A_10, %dma_wait3A_11] : memref<8192x1024xf32, #tpu.memory_space<hbm>> -> memref<8192x1024xf32, #tpu.memory_space<hbm>>
    tpu.wait_indirect_dma semaphore(%arg9 : memref<!tpu.dma_semaphore, #tpu.memory_space<semaphore_mem>>) src(%dma_wait3A_12 : memref<8192x1024xf32, #tpu.memory_space<hbm>>) dst(%arg8 : memref<64x1024xf32, #tpu.memory_space<vmem>>)
    "tpu.region"() ({
      %run_scoped3A = tpu.sem_alloc : memref<!tpu.dma_semaphore, #tpu.memory_space<semaphore_mem>>
      %dma_start3A_13 = arith.constant 0 : i32
      %dma_start3A_14 = tpu.memref_slice %arg6[%mul3A_2, %dma_start3A_13] : memref<2048x1024xf32, #tpu.memory_space<hbm>> -> memref<64x1024xf32, #tpu.memory_space<hbm>>
      %dma_start3A_15 = arith.constant 0 : i32
      %dma_start3A_16 = tpu.memref_slice %arg6[%mul3A_2, %dma_start3A_15] : memref<2048x1024xf32, #tpu.memory_space<hbm>> -> memref<64x1024xf32, #tpu.memory_space<hbm>>
      tpu.enqueue_dma source(%arg8 : memref<64x1024xf32, #tpu.memory_space<vmem>>) target(%dma_start3A_16 : memref<64x1024xf32, #tpu.memory_space<hbm>>) target_semaphore(%run_scoped3A : memref<!tpu.dma_semaphore, #tpu.memory_space<semaphore_mem>>)
      %dma_wait3A_17 = arith.constant 0 : i32
      %dma_wait3A_18 = tpu.memref_slice %arg6[%mul3A_2, %dma_wait3A_17] : memref<2048x1024xf32, #tpu.memory_space<hbm>> -> memref<64x1024xf32, #tpu.memory_space<hbm>>
      %dma_wait3A_19 = arith.constant 0 : i32
      %dma_wait3A_20 = tpu.memref_slice %arg6[%mul3A_2, %dma_wait3A_19] : memref<2048x1024xf32, #tpu.memory_space<hbm>> -> memref<64x1024xf32, #tpu.memory_space<hbm>>
      tpu.wait_dma2 semaphore(%run_scoped3A : memref<!tpu.dma_semaphore, #tpu.memory_space<semaphore_mem>>) src(%arg8 : memref<64x1024xf32, #tpu.memory_space<vmem>>) dst(%dma_wait3A_20 : memref<64x1024xf32, #tpu.memory_space<hbm>>)
      tpu.yield
    }) : () -> ()
    return
  }
}

module attributes {stable_mosaic.version = 14 : i64} {
  func.func @_route_body(%arg0: i32, %arg1: memref<2048x2xi32, #tpu.memory_space<vmem>>, %arg2: memref<128x1xi32, #tpu.memory_space<vmem>>, %arg3: memref<128x1xi32, #tpu.memory_space<vmem>>, %arg4: memref<128x1xi32, #tpu.memory_space<vmem>>) attributes {dimension_semantics = [#tpu.dimension_semantics<arbitrary>], iteration_bounds = array<i64: 16>, scalar_prefetch = 0 : i64, scratch_operands = 0 : i64, tpu.core_type = #tpu.core_type<tc>, window_params = [{pipeline_mode = #tpu.pipeline_mode<synchronous>, transform_indices = @transform_0, window_bounds = array<i64: 2048, 2>}, {transform_indices = @transform_1, window_bounds = array<i64: 128, 1>}, {transform_indices = @transform_2, window_bounds = array<i64: 128, 1>}, {pipeline_mode = #tpu.pipeline_mode<synchronous>, transform_indices = @transform_3, window_bounds = array<i64: 128, 1>}]} {
    %get3A = arith.constant 0 : index
    %get3A_0 = arith.constant 0 : index
    %get3A_1 = vector.load %arg1[%get3A, %get3A_0] : memref<2048x2xi32, #tpu.memory_space<vmem>>, vector<2048x2xi32>
    %iota3A = tpu.iota {dimensions = array<i32: 1>} : vector<2048x64xi32>
    %slice3A = vector.extract_strided_slice %get3A_1 {offsets = [0, 0], sizes = [2048, 1], strides = [1, 1]} : vector<2048x2xi32> to vector<2048x1xi32>
    %eq3A = vector.broadcast %slice3A : vector<2048x1xi32> to vector<2048x64xi32>
    %eq3A_2 = arith.cmpi eq, %eq3A, %iota3A : vector<2048x64xi32>
    %slice3A_3 = vector.extract_strided_slice %get3A_1 {offsets = [0, 1], sizes = [2048, 1], strides = [1, 1]} : vector<2048x2xi32> to vector<2048x1xi32>
    %eq3A_4 = vector.broadcast %slice3A_3 : vector<2048x1xi32> to vector<2048x64xi32>
    %eq3A_5 = arith.cmpi eq, %eq3A_4, %iota3A : vector<2048x64xi32>
    %convert_element_type3A = arith.extui %eq3A_2 : vector<2048x64xi1> to vector<2048x64xi32>
    %convert_element_type3A_6 = arith.sitofp %convert_element_type3A : vector<2048x64xi32> to vector<2048x64xf32>
    %convert_element_type3A_7 = arith.truncf %convert_element_type3A_6 : vector<2048x64xf32> to vector<2048x64xbf16>
    %convert_element_type3A_8 = arith.extui %eq3A_5 : vector<2048x64xi1> to vector<2048x64xi32>
    %convert_element_type3A_9 = arith.sitofp %convert_element_type3A_8 : vector<2048x64xi32> to vector<2048x64xf32>
    %convert_element_type3A_10 = arith.truncf %convert_element_type3A_9 : vector<2048x64xf32> to vector<2048x64xbf16>
    %add3A = arith.addf %convert_element_type3A_7, %convert_element_type3A_10 : vector<2048x64xbf16>
    %convert_element_type3A_11 = arith.extf %add3A : vector<2048x64xbf16> to vector<2048x64xf32>
    %reduce_sum3A = arith.constant dense<0.000000e+00> : vector<64xf32>
    %reduce_sum3A_12 = vector.multi_reduction <add>, %convert_element_type3A_11, %reduce_sum3A [0] : vector<2048x64xf32> to vector<64xf32>
    %broadcast_in_dim3A = vector.shape_cast %reduce_sum3A_12 : vector<64xf32> to vector<1x64xf32>
    %mul3A = arith.constant 1.562500e-02 : f32
    %mul3A_13 = vector.broadcast %mul3A : f32 to vector<1x64xf32>
    %mul3A_14 = arith.mulf %broadcast_in_dim3A, %mul3A_13 : vector<1x64xf32>
    %ceil3A = math.ceil %mul3A_14 : vector<1x64xf32>
    %iota3A_15 = tpu.iota {dimensions = array<i32: 0>} : vector<64x64xi32>
    %iota3A_16 = tpu.iota {dimensions = array<i32: 1>} : vector<64x64xi32>
    %lt3A = arith.cmpi slt, %iota3A_15, %iota3A_16 : vector<64x64xi32>
    %convert_element_type3A_17 = arith.extui %lt3A : vector<64x64xi1> to vector<64x64xi32>
    %convert_element_type3A_18 = arith.sitofp %convert_element_type3A_17 : vector<64x64xi32> to vector<64x64xf32>
    %dot_general3A = arith.constant dense<0.000000e+00> : vector<1x64xf32>
    %dot_general3A_19 = tpu.matmul %ceil3A, %convert_element_type3A_18, %dot_general3A {dimension_numbers = #tpu.dot_dimension_numbers<[1], [0], [0], [1], [0, 0, 1, 1], [], []>, transpose_lhs_hint = false} : vector<1x64xf32>, vector<64x64xf32>, vector<1x64xf32> -> vector<1x64xf32>
    %mul3A_20 = arith.constant 6.400000e+01 : f32
    %mul3A_21 = vector.broadcast %mul3A_20 : f32 to vector<1x64xf32>
    %mul3A_22 = arith.mulf %dot_general3A_19, %mul3A_21 : vector<1x64xf32>
    %iota3A_23 = tpu.iota {dimensions = array<i32: 0>} : vector<128x2048xi32>
    %mul3A_24 = arith.constant 128 : i32
    %mul3A_25 = arith.muli %arg0, %mul3A_24 : i32
    %add3A_26 = vector.broadcast %mul3A_25 : i32 to vector<128x2048xi32>
    %add3A_27 = arith.addi %iota3A_23, %add3A_26 : vector<128x2048xi32>
    %iota3A_28 = tpu.iota {dimensions = array<i32: 1>} : vector<128x2048xi32>
    %lt3A_29 = arith.cmpi slt, %iota3A_28, %add3A_27 : vector<128x2048xi32>
    %convert_element_type3A_30 = arith.extui %lt3A_29 : vector<128x2048xi1> to vector<128x2048xi32>
    %convert_element_type3A_31 = arith.sitofp %convert_element_type3A_30 : vector<128x2048xi32> to vector<128x2048xf32>
    %convert_element_type3A_32 = arith.truncf %convert_element_type3A_31 : vector<128x2048xf32> to vector<128x2048xbf16>
    %dot_general3A_33 = arith.constant dense<0.000000e+00> : vector<128x64xf32>
    %dot_general3A_34 = tpu.matmul %convert_element_type3A_32, %add3A, %dot_general3A_33 {dimension_numbers = #tpu.dot_dimension_numbers<[1], [0], [0], [1], [0, 0, 1, 1], [], []>, transpose_lhs_hint = false} : vector<128x2048xbf16>, vector<2048x64xbf16>, vector<128x64xf32> -> vector<128x64xf32>
    %iota3A_35 = tpu.iota {dimensions = array<i32: 1>} : vector<128x64xi32>
    %mul3A_36 = arith.constant 128 : i32
    %mul3A_37 = arith.muli %arg0, %mul3A_36 : i32
    %get3A_38 = arith.index_cast %mul3A_37 : i32 to index
    %get3A_39 = arith.constant 0 : index
    %get3A_40 = vector.load %arg1[%get3A_38, %get3A_39] : memref<2048x2xi32, #tpu.memory_space<vmem>>, vector<128x2xi32>
    %slice3A_41 = vector.extract_strided_slice %get3A_40 {offsets = [0, 0], sizes = [128, 1], strides = [1, 1]} : vector<128x2xi32> to vector<128x1xi32>
    %eq3A_42 = vector.broadcast %slice3A_41 : vector<128x1xi32> to vector<128x64xi32>
    %eq3A_43 = arith.cmpi eq, %eq3A_42, %iota3A_35 : vector<128x64xi32>
    %convert_element_type3A_44 = arith.extui %eq3A_43 : vector<128x64xi1> to vector<128x64xi32>
    %convert_element_type3A_45 = arith.sitofp %convert_element_type3A_44 : vector<128x64xi32> to vector<128x64xf32>
    %slice3A_46 = vector.extract_strided_slice %get3A_40 {offsets = [0, 1], sizes = [128, 1], strides = [1, 1]} : vector<128x2xi32> to vector<128x1xi32>
    %eq3A_47 = vector.broadcast %slice3A_46 : vector<128x1xi32> to vector<128x64xi32>
    %eq3A_48 = arith.cmpi eq, %eq3A_47, %iota3A_35 : vector<128x64xi32>
    %convert_element_type3A_49 = arith.extui %eq3A_48 : vector<128x64xi1> to vector<128x64xi32>
    %convert_element_type3A_50 = arith.sitofp %convert_element_type3A_49 : vector<128x64xi32> to vector<128x64xf32>
    %add3A_51 = vector.broadcast %mul3A_22 : vector<1x64xf32> to vector<128x64xf32>
    %add3A_52 = arith.addf %dot_general3A_34, %add3A_51 : vector<128x64xf32>
    %mul3A_53 = arith.mulf %convert_element_type3A_45, %add3A_52 : vector<128x64xf32>
    %reduce_sum3A_54 = arith.constant dense<0.000000e+00> : vector<128xf32>
    %reduce_sum3A_55 = vector.multi_reduction <add>, %mul3A_53, %reduce_sum3A_54 [1] : vector<128x64xf32> to vector<128xf32>
    %broadcast_in_dim3A_56 = vector.shape_cast %reduce_sum3A_55 : vector<128xf32> to vector<128x1xf32>
    %add3A_57 = arith.addf %add3A_52, %convert_element_type3A_45 : vector<128x64xf32>
    %mul3A_58 = arith.mulf %convert_element_type3A_50, %add3A_57 : vector<128x64xf32>
    %reduce_sum3A_59 = arith.constant dense<0.000000e+00> : vector<128xf32>
    %reduce_sum3A_60 = vector.multi_reduction <add>, %mul3A_58, %reduce_sum3A_59 [1] : vector<128x64xf32> to vector<128xf32>
    %broadcast_in_dim3A_61 = vector.shape_cast %reduce_sum3A_60 : vector<128xf32> to vector<128x1xf32>
    %convert_element_type3A_62 = arith.fptosi %broadcast_in_dim3A_56 : vector<128x1xf32> to vector<128x1xi32>
    %swap3A = arith.constant 0 : index
    %swap3A_63 = arith.constant 0 : index
    %swap3A_64 = vector.load %arg2[%swap3A, %swap3A_63] : memref<128x1xi32, #tpu.memory_space<vmem>>, vector<128x1xi32>
    tpu.vector_store %arg2[%swap3A, %swap3A_63], %convert_element_type3A_62 {strides = array<i32>} : memref<128x1xi32, #tpu.memory_space<vmem>>, vector<128x1xi32>,
    %convert_element_type3A_65 = arith.fptosi %broadcast_in_dim3A_61 : vector<128x1xf32> to vector<128x1xi32>
    %swap3A_66 = arith.constant 0 : index
    %swap3A_67 = arith.constant 0 : index
    %swap3A_68 = vector.load %arg3[%swap3A_66, %swap3A_67] : memref<128x1xi32, #tpu.memory_space<vmem>>, vector<128x1xi32>
    tpu.vector_store %arg3[%swap3A_66, %swap3A_67], %convert_element_type3A_65 {strides = array<i32>} : memref<128x1xi32, #tpu.memory_space<vmem>>, vector<128x1xi32>,
    %iota3A_69 = tpu.iota {dimensions = array<i32: 0>} : vector<128x64xi32>
    %convert_element_type3A_70 = arith.fptosi %dot_general3A_19 : vector<1x64xf32> to vector<1x64xi32>
    %le3A = vector.broadcast %convert_element_type3A_70 : vector<1x64xi32> to vector<128x64xi32>
    %le3A_71 = arith.cmpi sle, %le3A, %iota3A_69 : vector<128x64xi32>
    %convert_element_type3A_72 = arith.extui %le3A_71 : vector<128x64xi1> to vector<128x64xi32>
    %reduce_sum3A_73 = arith.constant dense<0> : vector<128xi32>
    %reduce_sum3A_74 = vector.multi_reduction <add>, %convert_element_type3A_72, %reduce_sum3A_73 [1] : vector<128x64xi32> to vector<128xi32>
    %broadcast_in_dim3A_75 = vector.shape_cast %reduce_sum3A_74 : vector<128xi32> to vector<128x1xi32>
    %sub3A = arith.constant 1 : i32
    %sub3A_76 = vector.broadcast %sub3A : i32 to vector<128x1xi32>
    %sub3A_77 = arith.subi %broadcast_in_dim3A_75, %sub3A_76 : vector<128x1xi32>
    %swap3A_78 = arith.constant 0 : index
    %swap3A_79 = arith.constant 0 : index
    %swap3A_80 = vector.load %arg4[%swap3A_78, %swap3A_79] : memref<128x1xi32, #tpu.memory_space<vmem>>, vector<128x1xi32>
    tpu.vector_store %arg4[%swap3A_78, %swap3A_79], %sub3A_77 {strides = array<i32>} : memref<128x1xi32, #tpu.memory_space<vmem>>, vector<128x1xi32>,
    return
  }
  func.func @transform_0(%arg0: i32) -> (i32, i32) {
    %c0_i32 = arith.constant 0 : i32
    %c0_i32_0 = arith.constant 0 : i32
    %c0_i32_1 = arith.constant 0 : i32
    return %c0_i32, %c0_i32_0 : i32, i32
  }
  func.func @transform_1(%arg0: i32) -> (i32, i32) {
    %c0_i32 = arith.constant 0 : i32
    %c0_i32_0 = arith.constant 0 : i32
    return %arg0, %c0_i32 : i32, i32
  }
  func.func @transform_2(%arg0: i32) -> (i32, i32) {
    %c0_i32 = arith.constant 0 : i32
    %c0_i32_0 = arith.constant 0 : i32
    return %arg0, %c0_i32 : i32, i32
  }
  func.func @transform_3(%arg0: i32) -> (i32, i32) {
    %c0_i32 = arith.constant 0 : i32
    %c0_i32_0 = arith.constant 0 : i32
    %c0_i32_1 = arith.constant 0 : i32
    return %c0_i32, %c0_i32_0 : i32, i32
  }
}

module attributes {stable_mosaic.version = 14 : i64} {
  func.func @_gate_body(%arg0: i32, %arg1: memref<128x1024xf32, #tpu.memory_space<vmem>>, %arg2: memref<64x1024xf32, #tpu.memory_space<vmem>>, %arg3: memref<128x2xf32, #tpu.memory_space<vmem>>, %arg4: memref<128x2xi32, #tpu.memory_space<vmem>>) attributes {dimension_semantics = [#tpu.dimension_semantics<arbitrary>], iteration_bounds = array<i64: 16>, scalar_prefetch = 0 : i64, scratch_operands = 0 : i64, tpu.core_type = #tpu.core_type<tc>, window_params = [{transform_indices = @transform_0, window_bounds = array<i64: 128, 1024>}, {pipeline_mode = #tpu.pipeline_mode<synchronous>, transform_indices = @transform_1, window_bounds = array<i64: 64, 1024>}, {transform_indices = @transform_2, window_bounds = array<i64: 128, 2>}, {transform_indices = @transform_3, window_bounds = array<i64: 128, 2>}]} {
    %get3A = arith.constant 0 : index
    %get3A_0 = arith.constant 0 : index
    %get3A_1 = vector.load %arg1[%get3A, %get3A_0] : memref<128x1024xf32, #tpu.memory_space<vmem>>, vector<128x1024xf32>
    %get3A_2 = arith.constant 0 : index
    %get3A_3 = arith.constant 0 : index
    %get3A_4 = vector.load %arg2[%get3A_2, %get3A_3] : memref<64x1024xf32, #tpu.memory_space<vmem>>, vector<64x1024xf32>
    %dot_general3A = arith.constant dense<0.000000e+00> : vector<128x64xf32>
    %dot_general3A_5 = tpu.matmul %get3A_1, %get3A_4, %dot_general3A {dimension_numbers = #tpu.dot_dimension_numbers<[1], [1], [0], [0], [0, 0, 1, 0], [], []>, transpose_lhs_hint = false} : vector<128x1024xf32>, vector<64x1024xf32>, vector<128x64xf32> -> vector<128x64xf32>
    %reduce_max3A = arith.constant dense<0xFF800000> : vector<128xf32>
    %reduce_max3A_6 = vector.multi_reduction <maximumf>, %dot_general3A_5, %reduce_max3A [1] : vector<128x64xf32> to vector<128xf32>
    %broadcast_in_dim3A = vector.shape_cast %reduce_max3A_6 : vector<128xf32> to vector<128x1xf32>
    %sub3A = vector.broadcast %broadcast_in_dim3A : vector<128x1xf32> to vector<128x64xf32>
    %sub3A_7 = arith.subf %dot_general3A_5, %sub3A : vector<128x64xf32>
    %exp3A = math.exp %sub3A_7 : vector<128x64xf32>
    %reduce_sum3A = arith.constant dense<0.000000e+00> : vector<128xf32>
    %reduce_sum3A_8 = vector.multi_reduction <add>, %exp3A, %reduce_sum3A [1] : vector<128x64xf32> to vector<128xf32>
    %broadcast_in_dim3A_9 = vector.shape_cast %reduce_sum3A_8 : vector<128xf32> to vector<128x1xf32>
    %div3A = vector.broadcast %broadcast_in_dim3A_9 : vector<128x1xf32> to vector<128x64xf32>
    %div3A_10 = arith.divf %exp3A, %div3A : vector<128x64xf32>
    %iota3A = tpu.iota {dimensions = array<i32: 1>} : vector<128x64xi32>
    %reduce_max3A_11 = arith.constant dense<0xFF800000> : vector<128xf32>
    %reduce_max3A_12 = vector.multi_reduction <maximumf>, %div3A_10, %reduce_max3A_11 [1] : vector<128x64xf32> to vector<128xf32>
    %broadcast_in_dim3A_13 = vector.shape_cast %reduce_max3A_12 : vector<128xf32> to vector<128x1xf32>
    %eq3A = vector.broadcast %broadcast_in_dim3A_13 : vector<128x1xf32> to vector<128x64xf32>
    %eq3A_14 = arith.cmpf oeq, %div3A_10, %eq3A : vector<128x64xf32>
    %jit3A = arith.constant 64 : i32
    %broadcast_in_dim3A_15 = vector.broadcast %jit3A : i32 to vector<128x64xi32>
    %select_n3A = arith.select %eq3A_14, %iota3A, %broadcast_in_dim3A_15 : vector<128x64xi1>, vector<128x64xi32>
    %reduce_min3A = arith.constant dense<2147483647> : vector<128xi32>
    %reduce_min3A_16 = vector.multi_reduction <minsi>, %select_n3A, %reduce_min3A [1] : vector<128x64xi32> to vector<128xi32>
    %broadcast_in_dim3A_17 = vector.shape_cast %reduce_min3A_16 : vector<128xi32> to vector<128x1xi32>
    %eq3A_18 = vector.broadcast %broadcast_in_dim3A_17 : vector<128x1xi32> to vector<128x64xi32>
    %eq3A_19 = arith.cmpi eq, %iota3A, %eq3A_18 : vector<128x64xi32>
    %jit3A_20 = arith.constant -1.000000e+00 : f32
    %broadcast_in_dim3A_21 = vector.broadcast %jit3A_20 : f32 to vector<128x64xf32>
    %select_n3A_22 = arith.select %eq3A_19, %broadcast_in_dim3A_21, %div3A_10 : vector<128x64xi1>, vector<128x64xf32>
    %reduce_max3A_23 = arith.constant dense<0xFF800000> : vector<128xf32>
    %reduce_max3A_24 = vector.multi_reduction <maximumf>, %select_n3A_22, %reduce_max3A_23 [1] : vector<128x64xf32> to vector<128xf32>
    %broadcast_in_dim3A_25 = vector.shape_cast %reduce_max3A_24 : vector<128xf32> to vector<128x1xf32>
    %eq3A_26 = vector.broadcast %broadcast_in_dim3A_25 : vector<128x1xf32> to vector<128x64xf32>
    %eq3A_27 = arith.cmpf oeq, %select_n3A_22, %eq3A_26 : vector<128x64xf32>
    %jit3A_28 = arith.constant 64 : i32
    %broadcast_in_dim3A_29 = vector.broadcast %jit3A_28 : i32 to vector<128x64xi32>
    %select_n3A_30 = arith.select %eq3A_27, %iota3A, %broadcast_in_dim3A_29 : vector<128x64xi1>, vector<128x64xi32>
    %reduce_min3A_31 = arith.constant dense<2147483647> : vector<128xi32>
    %reduce_min3A_32 = vector.multi_reduction <minsi>, %select_n3A_30, %reduce_min3A_31 [1] : vector<128x64xi32> to vector<128xi32>
    %broadcast_in_dim3A_33 = vector.shape_cast %reduce_min3A_32 : vector<128xi32> to vector<128x1xi32>
    %concatenate3A = tpu.concatenate %broadcast_in_dim3A_13, %broadcast_in_dim3A_25 in 1 : vector<128x1xf32>, vector<128x1xf32> -> vector<128x2xf32>
    %swap3A = arith.constant 0 : index
    %swap3A_34 = arith.constant 0 : index
    %swap3A_35 = vector.load %arg3[%swap3A, %swap3A_34] : memref<128x2xf32, #tpu.memory_space<vmem>>, vector<128x2xf32>
    tpu.vector_store %arg3[%swap3A, %swap3A_34], %concatenate3A {strides = array<i32>} : memref<128x2xf32, #tpu.memory_space<vmem>>, vector<128x2xf32>,
    %concatenate3A_36 = tpu.concatenate %broadcast_in_dim3A_17, %broadcast_in_dim3A_33 in 1 : vector<128x1xi32>, vector<128x1xi32> -> vector<128x2xi32>
    %swap3A_37 = arith.constant 0 : index
    %swap3A_38 = arith.constant 0 : index
    %swap3A_39 = vector.load %arg4[%swap3A_37, %swap3A_38] : memref<128x2xi32, #tpu.memory_space<vmem>>, vector<128x2xi32>
    tpu.vector_store %arg4[%swap3A_37, %swap3A_38], %concatenate3A_36 {strides = array<i32>} : memref<128x2xi32, #tpu.memory_space<vmem>>, vector<128x2xi32>,
    return
  }
  func.func @transform_0(%arg0: i32) -> (i32, i32) {
    %c0_i32 = arith.constant 0 : i32
    %c0_i32_0 = arith.constant 0 : i32
    return %arg0, %c0_i32 : i32, i32
  }
  func.func @transform_1(%arg0: i32) -> (i32, i32) {
    %c0_i32 = arith.constant 0 : i32
    %c0_i32_0 = arith.constant 0 : i32
    %c0_i32_1 = arith.constant 0 : i32
    return %c0_i32, %c0_i32_0 : i32, i32
  }
  func.func @transform_2(%arg0: i32) -> (i32, i32) {
    %c0_i32 = arith.constant 0 : i32
    %c0_i32_0 = arith.constant 0 : i32
    return %arg0, %c0_i32 : i32, i32
  }
  func.func @transform_3(%arg0: i32) -> (i32, i32) {
    %c0_i32 = arith.constant 0 : i32
    %c0_i32_0 = arith.constant 0 : i32
    return %arg0, %c0_i32 : i32, i32
  }
}

module attributes {stable_mosaic.version = 14 : i64} {
  func.func @_expert_body(%arg0: i32, %arg1: memref<128xi32, #tpu.memory_space<smem>>, %arg2: memref<64x1024xf32, #tpu.memory_space<vmem>>, %arg3: memref<1x1024x512xf32, #tpu.memory_space<vmem>>, %arg4: memref<1x1024x512xf32, #tpu.memory_space<vmem>>, %arg5: memref<1x512x1024xf32, #tpu.memory_space<vmem>>, %arg6: memref<64x1024xf32, #tpu.memory_space<vmem>>) attributes {dimension_semantics = [#tpu.dimension_semantics<arbitrary>], iteration_bounds = array<i64: 128>, scalar_prefetch = 1 : i64, scratch_operands = 0 : i64, tpu.core_type = #tpu.core_type<tc>, window_params = [{transform_indices = @transform_0, window_bounds = array<i64: 64, 1024>}, {transform_indices = @transform_1, window_bounds = array<i64: 1, 1024, 512>}, {transform_indices = @transform_2, window_bounds = array<i64: 1, 1024, 512>}, {transform_indices = @transform_3, window_bounds = array<i64: 1, 512, 1024>}, {transform_indices = @transform_4, window_bounds = array<i64: 64, 1024>}]} {
    %get3A = arith.constant 0 : index
    %get3A_0 = arith.constant 0 : index
    %get3A_1 = vector.load %arg2[%get3A, %get3A_0] : memref<64x1024xf32, #tpu.memory_space<vmem>>, vector<64x1024xf32>
    %convert_element_type3A = arith.truncf %get3A_1 : vector<64x1024xf32> to vector<64x1024xbf16>
    %get3A_2 = arith.constant 0 : index
    %get3A_3 = arith.constant 0 : index
    %get3A_4 = arith.constant 0 : index
    %get3A_5 = vector.load %arg3[%get3A_2, %get3A_3, %get3A_4] : memref<1x1024x512xf32, #tpu.memory_space<vmem>>, vector<1x1024x512xf32>
    %get3A_6 = vector.shape_cast %get3A_5 : vector<1x1024x512xf32> to vector<1024x512xf32>
    %convert_element_type3A_7 = arith.truncf %get3A_6 : vector<1024x512xf32> to vector<1024x512xbf16>
    %get3A_8 = arith.constant 0 : index
    %get3A_9 = arith.constant 0 : index
    %get3A_10 = arith.constant 0 : index
    %get3A_11 = vector.load %arg4[%get3A_8, %get3A_9, %get3A_10] : memref<1x1024x512xf32, #tpu.memory_space<vmem>>, vector<1x1024x512xf32>
    %get3A_12 = vector.shape_cast %get3A_11 : vector<1x1024x512xf32> to vector<1024x512xf32>
    %convert_element_type3A_13 = arith.truncf %get3A_12 : vector<1024x512xf32> to vector<1024x512xbf16>
    %get3A_14 = arith.constant 0 : index
    %get3A_15 = arith.constant 0 : index
    %get3A_16 = arith.constant 0 : index
    %get3A_17 = vector.load %arg5[%get3A_14, %get3A_15, %get3A_16] : memref<1x512x1024xf32, #tpu.memory_space<vmem>>, vector<1x512x1024xf32>
    %get3A_18 = vector.shape_cast %get3A_17 : vector<1x512x1024xf32> to vector<512x1024xf32>
    %convert_element_type3A_19 = arith.truncf %get3A_18 : vector<512x1024xf32> to vector<512x1024xbf16>
    %dot_general3A = arith.constant dense<0.000000e+00> : vector<64x512xf32>
    %dot_general3A_20 = tpu.matmul %convert_element_type3A, %convert_element_type3A_7, %dot_general3A {dimension_numbers = #tpu.dot_dimension_numbers<[1], [0], [0], [1], [0, 0, 1, 1], [], []>, transpose_lhs_hint = false} : vector<64x1024xbf16>, vector<1024x512xbf16>, vector<64x512xf32> -> vector<64x512xf32>
    %dot_general3A_21 = arith.constant dense<0.000000e+00> : vector<64x512xf32>
    %dot_general3A_22 = tpu.matmul %convert_element_type3A, %convert_element_type3A_13, %dot_general3A_21 {dimension_numbers = #tpu.dot_dimension_numbers<[1], [0], [0], [1], [0, 0, 1, 1], [], []>, transpose_lhs_hint = false} : vector<64x1024xbf16>, vector<1024x512xbf16>, vector<64x512xf32> -> vector<64x512xf32>
    %logistic3A = arith.negf %dot_general3A_20 : vector<64x512xf32>
    %logistic3A_23 = math.exp %logistic3A : vector<64x512xf32>
    %logistic3A_24 = arith.constant 1.000000e+00 : f32
    %logistic3A_25 = vector.broadcast %logistic3A_24 : f32 to vector<64x512xf32>
    %logistic3A_26 = arith.addf %logistic3A_25, %logistic3A_23 : vector<64x512xf32>
    %logistic3A_27 = arith.divf %logistic3A_25, %logistic3A_26 : vector<64x512xf32>
    %mul3A = arith.mulf %dot_general3A_20, %logistic3A_27 : vector<64x512xf32>
    %mul3A_28 = arith.mulf %mul3A, %dot_general3A_22 : vector<64x512xf32>
    %convert_element_type3A_29 = arith.truncf %mul3A_28 : vector<64x512xf32> to vector<64x512xbf16>
    %dot_general3A_30 = arith.constant dense<0.000000e+00> : vector<64x1024xf32>
    %dot_general3A_31 = tpu.matmul %convert_element_type3A_29, %convert_element_type3A_19, %dot_general3A_30 {dimension_numbers = #tpu.dot_dimension_numbers<[1], [0], [0], [1], [0, 0, 1, 1], [], []>, transpose_lhs_hint = false} : vector<64x512xbf16>, vector<512x1024xbf16>, vector<64x1024xf32> -> vector<64x1024xf32>
    %swap3A = arith.constant 0 : index
    %swap3A_32 = arith.constant 0 : index
    %swap3A_33 = vector.load %arg6[%swap3A, %swap3A_32] : memref<64x1024xf32, #tpu.memory_space<vmem>>, vector<64x1024xf32>
    tpu.vector_store %arg6[%swap3A, %swap3A_32], %dot_general3A_31 {strides = array<i32>} : memref<64x1024xf32, #tpu.memory_space<vmem>>, vector<64x1024xf32>,
    return
  }
  func.func @transform_0(%arg0: i32, %arg1: memref<128xi32, #tpu.memory_space<smem>>) -> (i32, i32) {
    %c0_i32 = arith.constant 0 : i32
    %c0_i32_0 = arith.constant 0 : i32
    return %arg0, %c0_i32 : i32, i32
  }
  func.func @transform_1(%arg0: i32, %arg1: memref<128xi32, #tpu.memory_space<smem>>) -> (i32, i32, i32) {
    %get3A = arith.index_cast %arg0 : i32 to index
    %get3A_0 = memref.load %arg1[%get3A] : memref<128xi32, #tpu.memory_space<smem>>
    %c0_i32 = arith.constant 0 : i32
    %c0_i32_1 = arith.constant 0 : i32
    %c0_i32_2 = arith.constant 0 : i32
    return %get3A_0, %c0_i32, %c0_i32_1 : i32, i32, i32
  }
  func.func @transform_2(%arg0: i32, %arg1: memref<128xi32, #tpu.memory_space<smem>>) -> (i32, i32, i32) {
    %get3A = arith.index_cast %arg0 : i32 to index
    %get3A_0 = memref.load %arg1[%get3A] : memref<128xi32, #tpu.memory_space<smem>>
    %c0_i32 = arith.constant 0 : i32
    %c0_i32_1 = arith.constant 0 : i32
    %c0_i32_2 = arith.constant 0 : i32
    return %get3A_0, %c0_i32, %c0_i32_1 : i32, i32, i32
  }
  func.func @transform_3(%arg0: i32, %arg1: memref<128xi32, #tpu.memory_space<smem>>) -> (i32, i32, i32) {
    %get3A = arith.index_cast %arg0 : i32 to index
    %get3A_0 = memref.load %arg1[%get3A] : memref<128xi32, #tpu.memory_space<smem>>
    %c0_i32 = arith.constant 0 : i32
    %c0_i32_1 = arith.constant 0 : i32
    %c0_i32_2 = arith.constant 0 : i32
    return %get3A_0, %c0_i32, %c0_i32_1 : i32, i32, i32
  }
  func.func @transform_4(%arg0: i32, %arg1: memref<128xi32, #tpu.memory_space<smem>>) -> (i32, i32) {
    %c0_i32 = arith.constant 0 : i32
    %c0_i32_0 = arith.constant 0 : i32
    return %arg0, %c0_i32 : i32, i32
  }
}

module attributes {stable_mosaic.version = 14 : i64} {
  func.func @_shared_body(%arg0: i32, %arg1: memref<128x1024xf32, #tpu.memory_space<vmem>>, %arg2: memref<1024x1024xbf16, #tpu.memory_space<vmem>>, %arg3: memref<1024x1024xbf16, #tpu.memory_space<vmem>>, %arg4: memref<1024x1024xbf16, #tpu.memory_space<vmem>>, %arg5: memref<128x1024xf32, #tpu.memory_space<vmem>>) attributes {dimension_semantics = [#tpu.dimension_semantics<arbitrary>], iteration_bounds = array<i64: 16>, scalar_prefetch = 0 : i64, scratch_operands = 0 : i64, tpu.core_type = #tpu.core_type<tc>, window_params = [{transform_indices = @transform_0, window_bounds = array<i64: 128, 1024>}, {pipeline_mode = #tpu.pipeline_mode<synchronous>, transform_indices = @transform_1, window_bounds = array<i64: 1024, 1024>}, {pipeline_mode = #tpu.pipeline_mode<synchronous>, transform_indices = @transform_2, window_bounds = array<i64: 1024, 1024>}, {pipeline_mode = #tpu.pipeline_mode<synchronous>, transform_indices = @transform_3, window_bounds = array<i64: 1024, 1024>}, {transform_indices = @transform_4, window_bounds = array<i64: 128, 1024>}]} {
    %get3A = arith.constant 0 : index
    %get3A_0 = arith.constant 0 : index
    %get3A_1 = vector.load %arg1[%get3A, %get3A_0] : memref<128x1024xf32, #tpu.memory_space<vmem>>, vector<128x1024xf32>
    %convert_element_type3A = arith.truncf %get3A_1 : vector<128x1024xf32> to vector<128x1024xbf16>
    %get3A_2 = arith.constant 0 : index
    %get3A_3 = arith.constant 0 : index
    %get3A_4 = vector.load %arg2[%get3A_2, %get3A_3] : memref<1024x1024xbf16, #tpu.memory_space<vmem>>, vector<1024x1024xbf16>
    %dot_general3A = arith.constant dense<0.000000e+00> : vector<128x1024xf32>
    %dot_general3A_5 = tpu.matmul %convert_element_type3A, %get3A_4, %dot_general3A {dimension_numbers = #tpu.dot_dimension_numbers<[1], [0], [0], [1], [0, 0, 1, 1], [], []>, transpose_lhs_hint = false} : vector<128x1024xbf16>, vector<1024x1024xbf16>, vector<128x1024xf32> -> vector<128x1024xf32>
    %get3A_6 = arith.constant 0 : index
    %get3A_7 = arith.constant 0 : index
    %get3A_8 = vector.load %arg3[%get3A_6, %get3A_7] : memref<1024x1024xbf16, #tpu.memory_space<vmem>>, vector<1024x1024xbf16>
    %dot_general3A_9 = arith.constant dense<0.000000e+00> : vector<128x1024xf32>
    %dot_general3A_10 = tpu.matmul %convert_element_type3A, %get3A_8, %dot_general3A_9 {dimension_numbers = #tpu.dot_dimension_numbers<[1], [0], [0], [1], [0, 0, 1, 1], [], []>, transpose_lhs_hint = false} : vector<128x1024xbf16>, vector<1024x1024xbf16>, vector<128x1024xf32> -> vector<128x1024xf32>
    %logistic3A = arith.negf %dot_general3A_5 : vector<128x1024xf32>
    %logistic3A_11 = math.exp %logistic3A : vector<128x1024xf32>
    %logistic3A_12 = arith.constant 1.000000e+00 : f32
    %logistic3A_13 = vector.broadcast %logistic3A_12 : f32 to vector<128x1024xf32>
    %logistic3A_14 = arith.addf %logistic3A_13, %logistic3A_11 : vector<128x1024xf32>
    %logistic3A_15 = arith.divf %logistic3A_13, %logistic3A_14 : vector<128x1024xf32>
    %mul3A = arith.mulf %dot_general3A_5, %logistic3A_15 : vector<128x1024xf32>
    %mul3A_16 = arith.mulf %mul3A, %dot_general3A_10 : vector<128x1024xf32>
    %convert_element_type3A_17 = arith.truncf %mul3A_16 : vector<128x1024xf32> to vector<128x1024xbf16>
    %get3A_18 = arith.constant 0 : index
    %get3A_19 = arith.constant 0 : index
    %get3A_20 = vector.load %arg4[%get3A_18, %get3A_19] : memref<1024x1024xbf16, #tpu.memory_space<vmem>>, vector<1024x1024xbf16>
    %dot_general3A_21 = arith.constant dense<0.000000e+00> : vector<128x1024xf32>
    %dot_general3A_22 = tpu.matmul %convert_element_type3A_17, %get3A_20, %dot_general3A_21 {dimension_numbers = #tpu.dot_dimension_numbers<[1], [0], [0], [1], [0, 0, 1, 1], [], []>, transpose_lhs_hint = false} : vector<128x1024xbf16>, vector<1024x1024xbf16>, vector<128x1024xf32> -> vector<128x1024xf32>
    %swap3A = arith.constant 0 : index
    %swap3A_23 = arith.constant 0 : index
    %swap3A_24 = vector.load %arg5[%swap3A, %swap3A_23] : memref<128x1024xf32, #tpu.memory_space<vmem>>, vector<128x1024xf32>
    tpu.vector_store %arg5[%swap3A, %swap3A_23], %dot_general3A_22 {strides = array<i32>} : memref<128x1024xf32, #tpu.memory_space<vmem>>, vector<128x1024xf32>,
    return
  }
  func.func @transform_0(%arg0: i32) -> (i32, i32) {
    %c0_i32 = arith.constant 0 : i32
    %c0_i32_0 = arith.constant 0 : i32
    return %arg0, %c0_i32 : i32, i32
  }
  func.func @transform_1(%arg0: i32) -> (i32, i32) {
    %c0_i32 = arith.constant 0 : i32
    %c0_i32_0 = arith.constant 0 : i32
    %c0_i32_1 = arith.constant 0 : i32
    return %c0_i32, %c0_i32_0 : i32, i32
  }
  func.func @transform_2(%arg0: i32) -> (i32, i32) {
    %c0_i32 = arith.constant 0 : i32
    %c0_i32_0 = arith.constant 0 : i32
    %c0_i32_1 = arith.constant 0 : i32
    return %c0_i32, %c0_i32_0 : i32, i32
  }
  func.func @transform_3(%arg0: i32) -> (i32, i32) {
    %c0_i32 = arith.constant 0 : i32
    %c0_i32_0 = arith.constant 0 : i32
    %c0_i32_1 = arith.constant 0 : i32
    return %c0_i32, %c0_i32_0 : i32, i32
  }
  func.func @transform_4(%arg0: i32) -> (i32, i32) {
    %c0_i32 = arith.constant 0 : i32
    %c0_i32_0 = arith.constant 0 : i32
    return %arg0, %c0_i32 : i32, i32
  }
}

module attributes {stable_mosaic.version = 14 : i64} {
  func.func @_combine_body(%arg0: i32, %arg1: memref<128x1024xf32, #tpu.memory_space<vmem>>, %arg2: memref<128x1024xf32, #tpu.memory_space<vmem>>, %arg3: memref<128x2xf32, #tpu.memory_space<vmem>>, %arg4: memref<128x1024xf32, #tpu.memory_space<vmem>>, %arg5: memref<128x1024xf32, #tpu.memory_space<vmem>>) attributes {dimension_semantics = [#tpu.dimension_semantics<arbitrary>], iteration_bounds = array<i64: 16>, scalar_prefetch = 0 : i64, scratch_operands = 0 : i64, tpu.core_type = #tpu.core_type<tc>, window_params = [{transform_indices = @transform_0, window_bounds = array<i64: 128, 1024>}, {transform_indices = @transform_1, window_bounds = array<i64: 128, 1024>}, {transform_indices = @transform_2, window_bounds = array<i64: 128, 2>}, {transform_indices = @transform_3, window_bounds = array<i64: 128, 1024>}, {transform_indices = @transform_4, window_bounds = array<i64: 128, 1024>}]} {
    %get3A = arith.constant 0 : index
    %get3A_0 = arith.constant 0 : index
    %get3A_1 = vector.load %arg3[%get3A, %get3A_0] : memref<128x2xf32, #tpu.memory_space<vmem>>, vector<128x2xf32>
    %get3A_2 = arith.constant 0 : index
    %get3A_3 = arith.constant 0 : index
    %get3A_4 = vector.load %arg1[%get3A_2, %get3A_3] : memref<128x1024xf32, #tpu.memory_space<vmem>>, vector<128x1024xf32>
    %slice3A = vector.extract_strided_slice %get3A_1 {offsets = [0, 0], sizes = [128, 1], strides = [1, 1]} : vector<128x2xf32> to vector<128x1xf32>
    %mul3A = vector.broadcast %slice3A : vector<128x1xf32> to vector<128x1024xf32>
    %mul3A_5 = arith.mulf %get3A_4, %mul3A : vector<128x1024xf32>
    %get3A_6 = arith.constant 0 : index
    %get3A_7 = arith.constant 0 : index
    %get3A_8 = vector.load %arg2[%get3A_6, %get3A_7] : memref<128x1024xf32, #tpu.memory_space<vmem>>, vector<128x1024xf32>
    %slice3A_9 = vector.extract_strided_slice %get3A_1 {offsets = [0, 1], sizes = [128, 1], strides = [1, 1]} : vector<128x2xf32> to vector<128x1xf32>
    %mul3A_10 = vector.broadcast %slice3A_9 : vector<128x1xf32> to vector<128x1024xf32>
    %mul3A_11 = arith.mulf %get3A_8, %mul3A_10 : vector<128x1024xf32>
    %add3A = arith.addf %mul3A_5, %mul3A_11 : vector<128x1024xf32>
    %get3A_12 = arith.constant 0 : index
    %get3A_13 = arith.constant 0 : index
    %get3A_14 = vector.load %arg4[%get3A_12, %get3A_13] : memref<128x1024xf32, #tpu.memory_space<vmem>>, vector<128x1024xf32>
    %add3A_15 = arith.addf %add3A, %get3A_14 : vector<128x1024xf32>
    %swap3A = arith.constant 0 : index
    %swap3A_16 = arith.constant 0 : index
    %swap3A_17 = vector.load %arg5[%swap3A, %swap3A_16] : memref<128x1024xf32, #tpu.memory_space<vmem>>, vector<128x1024xf32>
    tpu.vector_store %arg5[%swap3A, %swap3A_16], %add3A_15 {strides = array<i32>} : memref<128x1024xf32, #tpu.memory_space<vmem>>, vector<128x1024xf32>,
    return
  }
  func.func @transform_0(%arg0: i32) -> (i32, i32) {
    %c0_i32 = arith.constant 0 : i32
    %c0_i32_0 = arith.constant 0 : i32
    return %arg0, %c0_i32 : i32, i32
  }
  func.func @transform_1(%arg0: i32) -> (i32, i32) {
    %c0_i32 = arith.constant 0 : i32
    %c0_i32_0 = arith.constant 0 : i32
    return %arg0, %c0_i32 : i32, i32
  }
  func.func @transform_2(%arg0: i32) -> (i32, i32) {
    %c0_i32 = arith.constant 0 : i32
    %c0_i32_0 = arith.constant 0 : i32
    return %arg0, %c0_i32 : i32, i32
  }
  func.func @transform_3(%arg0: i32) -> (i32, i32) {
    %c0_i32 = arith.constant 0 : i32
    %c0_i32_0 = arith.constant 0 : i32
    return %arg0, %c0_i32 : i32, i32
  }
  func.func @transform_4(%arg0: i32) -> (i32, i32) {
    %c0_i32 = arith.constant 0 : i32
    %c0_i32_0 = arith.constant 0 : i32
    return %arg0, %c0_i32 : i32, i32
  }
}

</mosaic_0001>

<sc_bundles>
// kernel: kernel.12.cloned.1.call-start
scs
__scs_entry_jumppad:
0x0: {  	(pc) =	sbr.rel $0x88, $3  }
0x1: {  	(tag) =	ssettag $0x0;
	lr =	simm.s32 $0x1  }
0x2: {  	[smem:$0x3F99] =	sst lr;
	_ =	strace $0xD0000000  }
0x3: {  	_ = 	snop  }
0x4: {  	_ = 	snop  }
0x5: {  	_ = 	snop  }
0x6: {  	_ = 	snop  }
0x7: {  	_ = 	snop  }
__scs_overlays_trampoline_lowered:
0x8: {  	[smem:$0x3FA8] =	sst s0  }
0x9: {  	[smem:$0x3FA9] =	sst s1  }
0xa: {  	[smem:$0x3FAA] =	sst s2  }
0xb: {  	[smem:$0x3FAB] =	sst s3  }
0xc: {  	[smem:$0x3FAC] =	sst s4  }
0xd: {  	[smem:$0x3FAD] =	sst s5  }
0xe: {  	[smem:$0x3FAE] =	sst s6  }
0xf: {  	[smem:$0x3FAF] =	sst s7  }
0x10: {  	[smem:$0x3FB0] =	sst s8  }
0x11: {  	[smem:$0x3FB1] =	sst s9;
	s0 =	simm.s32 @!p0 $0x0  }
0x12: {  	s1 =	sld [smem:$0x3F97];
	s0 =	simm.s32 @p0 $0x1  }
0x13: {  	[smem:$0x3FB2] =	sst s0;
	s0 =	simm.s32 @!p1 $0x0  }
0x14: {  	s2 =	sld [smem:$0x3F96];
	s0 =	simm.s32 @p1 $0x1  }
0x15: {  	[smem:$0x3FB3] =	sst s0;
	s0 =	simm.s32 @!p2 $0x0  }
0x16: {  	s3 =	sld [smem:$0x3FDB];
	s0 =	simm.s32 @p2 $0x1  }
0x17: {  	s4 =	simm.s32 $0x1BF5;
	[smem:$0x3FB5] =	sst s0  }
0x18: {  	s0 =	sld [smem:$0x3F98];
	_ =	swait.ge [sflag:s4], $0x0  }
0x19: {  	s7 =	sld [smem:$0x3F99]  }
0x1a: {  	s8 =	sadd.s32 $0xFFFFE003, lr  }
0x1b: {  	s9 =	sadd.s32 $0xFFFFFEF7, lr;
	s5 =	simm.s32 $0xFFFFFFFF;
	p2 =	slt.u32 s8, $0xFFFFF086  }
0x1c: {  	p1 =	slt.u32 s9, $0xF7A;
	s5 =	simm.s32 @!p2 $0x0  }
0x1d: {  	s5 =	simm.s32 @p1 $0x1;
	p0 =	seq.s32 s7, s2  }
0x1e: {  	s7 =	smul.u32 @!p0 $0xF7A, s2;
	p2 =	seq.s32 @!p0 s5, $0x0  }
0x1f: {  	s9 =	smul.u32 $0xF7A, s1;
	s8 =	simm.s32 @!p0 $0x1BF5;
	p2 =	por !p2, p0  }
0x20: {  	[sflag:s8] =	ssyncset.s32 @!p0 $0xFFFFF086;
	s6 =	sadd.s32 @!p0 s3, s7;
	s7 =	simm.s32 @!p0 $0x108  }
0x21: {  	s3 =	sadd.s32 s3, s9;
	s6 =	sadd.s32 @!p0 $0x88, s6;
	s7 =	simm.s32 @p2 $0x1082  }
0x22: {  	[simem:s7], [sflag:s8] =	dma.local @!p0 [hbm:s6], $0xF7A  }
0x23: {  	s9 =	sor.u32 $0xD0000000, s2;
	s6 =	simm.s32 $0x108;
	_ =	swait.ge @!p0 [sflag:s8], $0x0  }
0x24: {  	s3 =	sadd.s32 $0x88, s3;
	s6 =	simm.s32 @!p1 $0x1082;
	[sflag:s4] =	ssyncset.s32 $0xFFFFF086  }
0x25: {  	[simem:s6], [sflag:s4] =	dma.local [hbm:s3], $0xF7A  }
0x26: {  	[smem:$0x3F99] =	sst s1;
	(tag) =	ssettag s2;
	_ =	strace s9  }
0x27: {  	s1 =	sld [smem:$0x3FA9]  }
0x28: {  	s2 =	sld [smem:$0x3FAA]  }
0x29: {  	s4 =	sld [smem:$0x3FAC]  }
0x2a: {  	p0 =	seq.s32 s5, $0x0;
	s5 =	sld [smem:$0x3FAD]  }
0x2b: {  	s6 =	sld [smem:$0x3FAE]  }
0x2c: {  	s7 =	sld [smem:$0x3FAF]  }
0x2d: {  	s3 =	simm.s32 $0x108;
	s8 =	sld [smem:$0x3FB0]  }
0x2e: {  	s3 =	simm.s32 @!p0 $0x1082;
	s9 =	sld [smem:$0x3FB1]  }
0x2f: {  	lr =	sadd.s32 s0, s3;
	s0 =	sld [smem:$0x3FA8]  }
0x30: {  	s3 =	sld [smem:$0x3FAB]  }
0x31: {  	[smem:$0x3FB4] =	sst s10  }
0x32: {  	s10 =	sld [smem:$0x3FB2];
	_ =	sdelay $0x3  }
0x33: {  	p0 =	seq.s32 s10, $0x1;
	s10 =	sld [smem:$0x3FB4];
	_ =	sdelay $0x3  }
0x34: {  	[smem:$0x3FB4] =	sst s10  }
0x35: {  	s10 =	sld [smem:$0x3FB3];
	_ =	sdelay $0x3  }
0x36: {  	p1 =	seq.s32 s10, $0x1;
	s10 =	sld [smem:$0x3FB4];
	_ =	sdelay $0x3  }
0x37: {  	[smem:$0x3FB4] =	sst s10  }
0x38: {  	s10 =	sld [smem:$0x3FB5]  }
0x39: {  	_ = 	snop;
	(pc) =	sbr.ind lr, $3  }
0x3a: {  	_ = 	snop  }
0x3b: {  	_ = 	snop  }
0x3c: {  	p2 =	seq.s32 s10, $0x1;
	s10 =	sld [smem:$0x3FB4]  }
0x3d: {  	_ =	shalt  }
0x3e: {  	_ =	shalt  }
0x3f: {  	_ =	shalt  }
0x40: {  	_ =	shalt  }
0x41: {  	_ =	shalt  }
0x42: {  	_ =	shalt  }
0x43: {  	_ =	shalt  }
0x44: {  	_ =	shalt  }
0x45: {  	_ =	shalt  }
0x46: {  	_ =	shalt  }
0x47: {  	_ =	shalt  }
0x48: {  	_ =	shalt  }
0x49: {  	_ =	shalt  }
0x4a: {  	_ =	shalt  }
0x4b: {  	_ =	shalt  }
0x4c: {  	_ =	shalt  }
0x4d: {  	_ =	shalt  }
0x4e: {  	_ =	shalt  }
0x4f: {  	_ =	shalt  }
0x50: {  	_ =	shalt  }
0x51: {  	_ =	shalt  }
0x52: {  	_ =	shalt  }
0x53: {  	_ =	shalt  }
0x54: {  	_ =	shalt  }
0x55: {  	_ =	shalt  }
0x56: {  	_ =	shalt  }
0x57: {  	_ =	shalt  }
0x58: {  	_ =	shalt  }
0x59: {  	_ =	shalt  }
0x5a: {  	_ =	shalt  }
0x5b: {  	_ =	shalt  }
0x5c: {  	_ =	shalt  }
0x5d: {  	_ =	shalt  }
0x5e: {  	_ =	shalt  }
0x5f: {  	_ =	shalt  }
0x60: {  	_ =	shalt  }
0x61: {  	_ =	shalt  }
0x62: {  	_ =	shalt  }
0x63: {  	_ =	shalt  }
0x64: {  	_ =	shalt  }
0x65: {  	_ =	shalt  }
0x66: {  	_ =	shalt  }
0x67: {  	_ =	shalt  }
0x68: {  	_ =	shalt  }
0x69: {  	_ =	shalt  }
0x6a: {  	_ =	shalt  }
0x6b: {  	_ =	shalt  }
0x6c: {  	_ =	shalt  }
0x6d: {  	_ =	shalt  }
0x6e: {  	_ =	shalt  }
0x6f: {  	_ =	shalt  }
0x70: {  	_ =	shalt  }
0x71: {  	_ =	shalt  }
0x72: {  	_ =	shalt  }
0x73: {  	_ =	shalt  }
0x74: {  	_ =	shalt  }
0x75: {  	_ =	shalt  }
0x76: {  	_ =	shalt  }
0x77: {  	_ =	shalt  }
0x78: {  	_ =	shalt  }
0x79: {  	_ =	shalt  }
0x7a: {  	_ =	shalt  }
0x7b: {  	_ =	shalt  }
0x7c: {  	_ =	shalt  }
0x7d: {  	_ =	shalt  }
0x7e: {  	_ =	shalt  }
0x7f: {  	_ =	shalt  }
0x80: {  	_ =	shalt  }
0x81: {  	_ =	shalt  }
0x82: {  	_ =	shalt  }
0x83: {  	_ =	shalt  }
0x84: {  	_ =	shalt  }
0x85: {  	_ =	shalt  }
0x86: {  	_ =	shalt  }
0x87: {  	_ =	shalt  }
.Lfunc_end0:
.L_simem_size_0:
called_computation.1_lowered:
.L_overlay_start_0:
0x88: {  	s2 =	sld [smem:$0x3FD9]  }
0x89: {  	s3 =	sld [smem:$0x3FFE];
	_ =	sdelay $0x1  }
0x8a: {  	s1 =	srdreg.scid  }
0x8b: {  	s0 =	sand.u32 $0x1, s1  }
0x8c: {  	s17 =	sshll.u32 s0, $0xA;
	s2 =	sadd.s32 s3, s2  }
0x8d: {  	s2 =	sadd.s32 s2, s17  }
0x8e: {  	[smem:$0x3FC0] =	sst s2  }
0x8f: {  	_ = 	snop  }
0x90: {  	s2 =	sld [smem:$0x3FD0];
	(tm) =	ssettm $0x1  }
0x91: {  	s18 =	sld [smem:$0x3FFB];
	_ =	sdelay $0x3  }
0x92: {  	_ =	strace s18  }
0x93: {  	s3 =	sld [smem:$0x3FFC];
	_ =	sdelay $0x3  }
0x94: {  	_ =	strace s3  }
0x95: {  	s3 =	sld [smem:$0x3FFD];
	_ =	sdelay $0x3  }
0x96: {  	_ =	strace s3  }
0x97: {  	_ =	strace $0x8FFFFFFF  }
0x98: {  	s19 =	sld [smem:$0x3FDB];
	_ =	sdelay $0x1  }
0x99: {  	s4 =	simm.s32 $_scs_section_size  }
0x9a: {  	s5 =	simm.s32 $_size__tile_overlayer_lowered;
	s6 =	simm.s32 $_tile_overlayer_lowered  }
0x9b: {  	s22 =	simm.s32 $0x1BFF;
	s21 =	sshll.u32 s6, $0x1;
	s3 =	sadd.s32 s4, s19  }
0x9c: {  	s7 =	simm.s32 $0x0;
	s20 =	sshll.u32 s5, $0x1;
	s5 =	sadd.s32 s21, s3  }
0x9d: {  	[timem:s7], [sflag:s22] =	dma.local [hbm:s5], s20  }
0x9e: {  	_ =	swait.ge [sflag:s22], s20  }
0x9f: {  	s4 =	ssub.s32 $0x0, s20;
	[sflag:s22] =	ssyncset.done $0x0  }
0xa0: {  	[sflag:s22] =	ssyncadd.s32 s4;
	_ =	sdelay $0x1  }
0xa1: {  	s23 =	simm.s32 $0x1B8B  }
0xa2: {  	_ =	swait.ge [sflag:s23], $0x1  }
0xa3: {  	[sflag:s23] =	ssyncset.done $0x0  }
0xa4: {  	s25 =	simm.s32 $0x1B8E;
	s24 =	sld [smem:$0x3FFE];
	[sflag:s23] =	ssyncadd.s32 $0xFFFFFFFF  }
0xa5: {  	s26 =	simm.s32 $execute0_lowered;
	[smem:$0x3FD2] =	sst s25  }
0xa6: {  	s5 =	sshll.u32 s26, $0x1;
	_ =	strace $0x80000049;
	[dreg:$0x1] =	wrdreg $0xFFFFFFFF  }
0xa7: {  	s28 =	simm.s32 $_size_execute0_lowered;
	s3 =	sadd.s32 s3, s5;
	[dreg:$0x0] =	wrdreg $0x0  }
0xa8: {  	s5 =	sshll.u32 s28, $0x1;
	[dreg:$0x2] =	wrdreg s3  }
0xa9: {  	[dreg:$0x3] =	wrdreg s5  }
0xaa: {  	[dreg:$0x4] =	wrdreg $0xC0  }
0xab: {  	_ =	task [dreg:s7], $0x5FFFF  }
0xac: {  	[dreg:$0x1] =	wrdreg $0xFFFFFFFF  }
0xad: {  	[dreg:$0x0] =	wrdreg $0x60  }
0xae: {  	[dreg:$0x2] =	wrdreg s24  }
0xaf: {  	[dreg:$0x3] =	wrdreg s2  }
0xb0: {  	[dreg:$0x4] =	wrdreg $0x9  }
0xb1: {  	_ =	task.clear_ibuf [dreg:s7], $0x5FFFF;
	_ =	strace $0x90000049  }
0xb2: {  	s29 =	simm.s32 $0x9;
	_ =	strace $0x8000004B  }
0xb3: {  	_ =	swait.ge [sflag:s29], $0x1  }
0xb4: {  	[sflag:s29] =	ssyncadd.s32 $0xFFFFFFFF  }
0xb5: {  	_ =	strace $0x9000004B  }
0xb6: {  	_ =	sfence  }
0xb7: {  	s30 =	sld [smem:$0x0];
	_ =	sdelay $0x2  }
0xb8: {  	s31 =	sshll.u32 s1, $0xD;
	s1 =	sshrl.u32 s1, $0x2  }
0xb9: {  	s3 =	sand.u32 $0x4000, s31;
	s1 =	sadd.s32 s1, s30  }
0xba: {  	s0 =	sor.u32 s3, s0;
	s1 =	sshll.u32 s1, $0x11  }
0xbb: {  	s0 =	sor.u32 s1, s0  }
0xbc: {  	s0 =	sadd.s32 $0x8F2B, s0  }
0xbd: {  	[sflag:s0] =	ssyncadd.remote.s32 $0x1  }
0xbe: {  	_ =	sfence.sel $0xFFFF  }
0xbf: {  	[dreg:$0x0] =	wrdreg $0xFFFFFFFF;
	(pc) =	sbr.abs _section_cstart, $3  }
0xc0: {  	[dreg:$0x1] =	wrdreg $0xFFFFFFFF  }
0xc1: {  	_ =	task.clear_ibuf [dreg:s7], $0x2FFFF;
	_ =	strace $0x9FFFFFFF  }
0xc2: {  	(tm) =	ssettm $0x7FFFFFFF  }
0xc3: {  	_ =	shalt  }
tec
execute0_lowered:
.L_overlay_start_1:
0x0: {  	(tag) =	ssettag $0x1  }
0x1: {  	s0 =	rddreg [dreg:$0x0]  }
0x2: {  	s1 =	rddreg [dreg:$0x1];
	s3 =	srdreg.scid  }
0x3: {  	s2 =	simm.s32 $0x0;
	s5 =	stileid.u32;
	s18 =	simm.s32 $0x1  }
0x4: {  	s20 =	simm.s32 $0x880;
	s21 =	simm.s32 $0x1080;
	s28 =	simm.s32 $0x4080  }
0x5: {  	s29 =	simm.s32 $0x4880;
	s30 =	simm.s32 $0x5080;
	s31 =	simm.s32 $0x5880  }
0x6: {  	s10 =	simm.s32 $0x7080;
	s11 =	simm.s32 $0x7880;
	s12 =	simm.s32 $0x8080  }
0x7: {  	s13 =	simm.s32 $0x8880;
	s14 =	simm.s32 $0x9080;
	s15 =	simm.s32 $0x9880  }
0x8: {  	s16 =	simm.s32 $0xA080;
	s17 =	simm.s32 $0xA880;
	s9 =	simm.s32 $0xB080  }
0x9: {  	s4 =	sand.u32 $0x1, s3;
	[smem:$0x7FF] =	sst s2;
	s22 =	sshll.u32 s5, $0x7  }
0xa: {  	s3 =	sadd.s32 $0x109800, s0;
	s23 =	sshll.u32 s4, $0x6;
	s4 =	ssub.s32 $0x2, s4  }
0xb: {  	_ =	strace $0x8000004A;
	s5 =	sor.u32 s23, s22;
	s7 =	sshrl.u32 s4, $0x1  }
0xc: {  	s22 =	simm.s32 $0x1880;
	s23 =	simm.s32 $0x2080;
	s6 =	sshrl.u32 s5, $0x3  }
0xd: {  	s5 =	sshll.u32 s5, $0x7;
	s7 =	ssub.s32 s4, s7;
	s4 =	sadd.s32 $0x109900, s0  }
0xe: {  	s6 =	sadd.s32 s6, s0;
	s8 =	sadd.s32 s5, s0;
	s1 =	sadd.s32 s1, s5  }
0xf: {  	s5 =	sadd.s32 $0x109A00, s0;
	s24 =	sadd.s32 $0x9400, s6;
	[dreg:$0x4] =	wrdreg s1  }
0x10: {  	s7 =	smax.u32 s7, $0x1;
	s25 =	sadd.s32 $0x9600, s6;
	[dreg:$0x3] =	wrdreg s24  }
0x11: {  	v2 =	vlaneseq.u32;
	s6 =	sadd.s32 $0x109B00, s0;
	s26 =	sadd.s32 $0x9800, s8;
	[dreg:$0x5] =	wrdreg s25  }
0x12: {  	vm0 =	vmmov $0xffff;
	v1 =	vshrl.u32 v2, $0x3;
	s8 =	simm.s32 $0x2;
	s0 =	simm.s32 $0x80;
	[dreg:$0x6] =	wrdreg s26  }
0x13: {  	v0 =	vand.u32 $0x7, v2;
	v2 =	vor.u32 $0x8, v2;
	v1 =	vmul.u32 $0x8, v1;
	s24 =	simm.s32 $0x2880;
	s25 =	simm.s32 $0x3080;
	s26 =	simm.s32 $0x3880  }
.LBB2_1:
0x14: {  	s19 =	rddreg [dreg:$0x3]  }
0x15: {  	[tilespmem:s2], [sflag:$0x2] =	stream.linear.gather [hbm4b:s19+s2], $0x40, $0x38;
	[tilespmem:$0x10080] =	vst v63  }
0x16: {  	_ =	swait.ge [sflag:s8], $0x40  }
0x17: {  	[sflag:s8] =	ssyncset.done $0x0  }
0x18: {  	[sflag:s8] =	ssyncadd.s32 $0xFFFFFFC0  }
0x19: {  	v3 =	vld [tilespmem:$0x0];
	_ =	sdelay $0x4  }
0x1a: {  	v4 =	vshll.u32 v3, $0x3  }
0x1b: {  	v3 =	vand.u32 $0x7, v3;
	v4 =	vand.u32 $0xFFFFFFC0, v4  }
0x1c: {  	v3 =	vor.u32 v3, v4  }
0x1d: {  	v4 =	vperm.xlane v3, v0;
	_ =	sdelay $0x1  }
0x1e: {  	v4 =	vadd.s32 v1, v4;
	_ =	sdelay $0x4  }
0x1f: {  	[tilespmem:s0], [sflag:$0x1] =	stream.indirect_vreg.gather [hbm4b:s3+s2], $0x80, v4, vm0, $0xb8;
	[tilespmem:$0x10080] =	vst v63  }
0x20: {  	v3 =	vperm.xlane v3, v2  }
0x21: {  	[tilespmem:s20], [sflag:$0x1] =	stream.indirect_vreg.gather [hbm4b:s4+s2], $0x80, v4, vm0, $0xb8;
	[tilespmem:$0x10080] =	vst v63  }
0x22: {  	v3 =	vadd.s32 v1, v3  }
0x23: {  	[tilespmem:s21], [sflag:$0x1] =	stream.indirect_vreg.gather [hbm4b:s5+s2], $0x80, v4, vm0, $0xb8;
	[tilespmem:$0x10080] =	vst v63  }
0x24: {  	_ = 	snop  }
0x25: {  	[tilespmem:s22], [sflag:$0x1] =	stream.indirect_vreg.gather [hbm4b:s6+s2], $0x80, v4, vm0, $0xb8;
	[tilespmem:$0x10080] =	vst v63  }
0x26: {  	_ = 	snop  }
0x27: {  	[tilespmem:s23], [sflag:$0x1] =	stream.indirect_vreg.gather [hbm4b:s3+s2], $0x80, v3, vm0, $0xb8;
	[tilespmem:$0x10080] =	vst v63  }
0x28: {  	_ = 	snop  }
0x29: {  	[tilespmem:s24], [sflag:$0x1] =	stream.indirect_vreg.gather [hbm4b:s4+s2], $0x80, v3, vm0, $0xb8;
	[tilespmem:$0x10080] =	vst v63  }
0x2a: {  	_ = 	snop  }
0x2b: {  	[tilespmem:s25], [sflag:$0x1] =	stream.indirect_vreg.gather [hbm4b:s5+s2], $0x80, v3, vm0, $0xb8;
	[tilespmem:$0x10080] =	vst v63  }
0x2c: {  	_ = 	snop  }
0x2d: {  	[tilespmem:s26], [sflag:$0x1] =	stream.indirect_vreg.gather [hbm4b:s6+s2], $0x80, v3, vm0, $0xb8;
	[tilespmem:$0x10080] =	vst v63  }
0x2e: {  	v3 =	vld [tilespmem:$0x10];
	_ =	sdelay $0x4  }
0x2f: {  	v57 =	vshll.u32 v3, $0x3  }
0x30: {  	v3 =	vand.u32 $0x7, v3;
	v4 =	vand.u32 $0xFFFFFFC0, v57  }
0x31: {  	v3 =	vor.u32 v3, v4  }
0x32: {  	v4 =	vperm.xlane v3, v0;
	_ =	sdelay $0x1  }
0x33: {  	v4 =	vadd.s32 v1, v4;
	_ =	sdelay $0x4  }
0x34: {  	[tilespmem:s28], [sflag:$0x1] =	stream.indirect_vreg.gather [hbm4b:s3+s2], $0x80, v4, vm0, $0xb8;
	[tilespmem:$0x10080] =	vst v63  }
0x35: {  	v3 =	vperm.xlane v3, v2  }
0x36: {  	[tilespmem:s29], [sflag:$0x1] =	stream.indirect_vreg.gather [hbm4b:s4+s2], $0x80, v4, vm0, $0xb8;
	[tilespmem:$0x10080] =	vst v63  }
0x37: {  	v3 =	vadd.s32 v1, v3  }
0x38: {  	[tilespmem:s30], [sflag:$0x1] =	stream.indirect_vreg.gather [hbm4b:s5+s2], $0x80, v4, vm0, $0xb8;
	[tilespmem:$0x10080] =	vst v63  }
0x39: {  	_ = 	snop  }
0x3a: {  	[tilespmem:s31], [sflag:$0x1] =	stream.indirect_vreg.gather [hbm4b:s6+s2], $0x80, v4, vm0, $0xb8;
	[tilespmem:$0x10080] =	vst v63  }
0x3b: {  	s1 =	simm.s32 $0x6080  }
0x3c: {  	[tilespmem:s1], [sflag:$0x1] =	stream.indirect_vreg.gather [hbm4b:s3+s2], $0x80, v3, vm0, $0xb8;
	[tilespmem:$0x10080] =	vst v63  }
0x3d: {  	s1 =	simm.s32 $0x6880  }
0x3e: {  	[tilespmem:s1], [sflag:$0x1] =	stream.indirect_vreg.gather [hbm4b:s4+s2], $0x80, v3, vm0, $0xb8;
	[tilespmem:$0x10080] =	vst v63  }
0x3f: {  	_ = 	snop  }
0x40: {  	[tilespmem:s10], [sflag:$0x1] =	stream.indirect_vreg.gather [hbm4b:s5+s2], $0x80, v3, vm0, $0xb8;
	[tilespmem:$0x10080] =	vst v63  }
0x41: {  	_ = 	snop  }
0x42: {  	[tilespmem:s11], [sflag:$0x1] =	stream.indirect_vreg.gather [hbm4b:s6+s2], $0x80, v3, vm0, $0xb8;
	[tilespmem:$0x10080] =	vst v63  }
0x43: {  	v3 =	vld [tilespmem:$0x20];
	_ =	sdelay $0x4  }
0x44: {  	v58 =	vshll.u32 v3, $0x3  }
0x45: {  	v3 =	vand.u32 $0x7, v3;
	v4 =	vand.u32 $0xFFFFFFC0, v58  }
0x46: {  	v3 =	vor.u32 v3, v4  }
0x47: {  	v4 =	vperm.xlane v3, v0;
	_ =	sdelay $0x1  }
0x48: {  	v4 =	vadd.s32 v1, v4;
	_ =	sdelay $0x4  }
0x49: {  	[tilespmem:s12], [sflag:$0x1] =	stream.indirect_vreg.gather [hbm4b:s3+s2], $0x80, v4, vm0, $0xb8;
	[tilespmem:$0x10080] =	vst v63  }
0x4a: {  	v3 =	vperm.xlane v3, v2  }
0x4b: {  	[tilespmem:s13], [sflag:$0x1] =	stream.indirect_vreg.gather [hbm4b:s4+s2], $0x80, v4, vm0, $0xb8;
	[tilespmem:$0x10080] =	vst v63  }
0x4c: {  	v3 =	vadd.s32 v1, v3  }
0x4d: {  	[tilespmem:s14], [sflag:$0x1] =	stream.indirect_vreg.gather [hbm4b:s5+s2], $0x80, v4, vm0, $0xb8;
	[tilespmem:$0x10080] =	vst v63  }
0x4e: {  	_ = 	snop  }
0x4f: {  	[tilespmem:s15], [sflag:$0x1] =	stream.indirect_vreg.gather [hbm4b:s6+s2], $0x80, v4, vm0, $0xb8;
	[tilespmem:$0x10080] =	vst v63  }
0x50: {  	_ = 	snop  }
0x51: {  	[tilespmem:s16], [sflag:$0x1] =	stream.indirect_vreg.gather [hbm4b:s3+s2], $0x80, v3, vm0, $0xb8;
	[tilespmem:$0x10080] =	vst v63  }
0x52: {  	_ = 	snop  }
0x53: {  	[tilespmem:s17], [sflag:$0x1] =	stream.indirect_vreg.gather [hbm4b:s4+s2], $0x80, v3, vm0, $0xb8;
	[tilespmem:$0x10080] =	vst v63  }
0x54: {  	_ = 	snop  }
0x55: {  	[tilespmem:s9], [sflag:$0x1] =	stream.indirect_vreg.gather [hbm4b:s5+s2], $0x80, v3, vm0, $0xb8;
	[tilespmem:$0x10080] =	vst v63  }
0x56: {  	s19 =	simm.s32 $0xB880  }
0x57: {  	[tilespmem:s19], [sflag:$0x1] =	stream.indirect_vreg.gather [hbm4b:s6+s2], $0x80, v3, vm0, $0xb8;
	[tilespmem:$0x10080] =	vst v63  }
0x58: {  	v3 =	vld [tilespmem:$0x30];
	_ =	sdelay $0x4  }
0x59: {  	v59 =	vshll.u32 v3, $0x3  }
0x5a: {  	v3 =	vand.u32 $0x7, v3;
	v4 =	vand.u32 $0xFFFFFFC0, v59  }
0x5b: {  	v3 =	vor.u32 v3, v4  }
0x5c: {  	v4 =	vperm.xlane v3, v0;
	_ =	sdelay $0x1  }
0x5d: {  	v4 =	vadd.s32 v1, v4;
	_ =	sdelay $0x3  }
0x5e: {  	s19 =	simm.s32 $0xC080  }
0x5f: {  	[tilespmem:s19], [sflag:$0x1] =	stream.indirect_vreg.gather [hbm4b:s3+s2], $0x80, v4, vm0, $0xb8;
	[tilespmem:$0x10080] =	vst v63  }
0x60: {  	v3 =	vperm.xlane v3, v2;
	s19 =	simm.s32 $0xC880  }
0x61: {  	[tilespmem:s19], [sflag:$0x1] =	stream.indirect_vreg.gather [hbm4b:s4+s2], $0x80, v4, vm0, $0xb8;
	[tilespmem:$0x10080] =	vst v63  }
0x62: {  	v3 =	vadd.s32 v1, v3;
	s19 =	simm.s32 $0xD080  }
0x63: {  	[tilespmem:s19], [sflag:$0x1] =	stream.indirect_vreg.gather [hbm4b:s5+s2], $0x80, v4, vm0, $0xb8;
	[tilespmem:$0x10080] =	vst v63  }
0x64: {  	s19 =	simm.s32 $0xD880  }
0x65: {  	[tilespmem:s19], [sflag:$0x1] =	stream.indirect_vreg.gather [hbm4b:s6+s2], $0x80, v4, vm0, $0xb8;
	[tilespmem:$0x10080] =	vst v63  }
0x66: {  	s19 =	simm.s32 $0xE080  }
0x67: {  	[tilespmem:s19], [sflag:$0x1] =	stream.indirect_vreg.gather [hbm4b:s3+s2], $0x80, v3, vm0, $0xb8;
	[tilespmem:$0x10080] =	vst v63  }
0x68: {  	s19 =	simm.s32 $0xE880  }
0x69: {  	[tilespmem:s19], [sflag:$0x1] =	stream.indirect_vreg.gather [hbm4b:s4+s2], $0x80, v3, vm0, $0xb8;
	[tilespmem:$0x10080] =	vst v63  }
0x6a: {  	s19 =	simm.s32 $0xF080  }
0x6b: {  	[tilespmem:s19], [sflag:$0x1] =	stream.indirect_vreg.gather [hbm4b:s5+s2], $0x80, v3, vm0, $0xb8;
	[tilespmem:$0x10080] =	vst v63  }
0x6c: {  	s19 =	simm.s32 $0xF880  }
0x6d: {  	[tilespmem:s19], [sflag:$0x1] =	stream.indirect_vreg.gather [hbm4b:s6+s2], $0x80, v3, vm0, $0xb8;
	[tilespmem:$0x10080] =	vst v63  }
0x6e: {  	_ =	swait.ge [sflag:s18], $0x10000  }
0x6f: {  	[sflag:s18] =	ssyncset.done $0x0  }
0x70: {  	s19 =	rddreg [dreg:$0x4];
	[sflag:s18] =	ssyncadd.s32 $0xFFFF0000  }
0x71: {  	[hbm4b:s19+s2] =	stream.linear.scatter [tilespmem:s0], [sflag:$0x2], $0x10000, $0x38;
	[tilespmem:$0x10080] =	vst v63  }
0x72: {  	_ =	swait.ge [sflag:s8], $0x10000  }
0x73: {  	[sflag:s8] =	ssyncset.done $0x0  }
0x74: {  	s19 =	rddreg [dreg:$0x5];
	[sflag:s8] =	ssyncadd.s32 $0xFFFF0000  }
0x75: {  	[tilespmem:s2], [sflag:$0x2] =	stream.linear.gather [hbm4b:s19+s2], $0x40, $0x38;
	[tilespmem:$0x10080] =	vst v63  }
0x76: {  	_ =	swait.ge [sflag:s8], $0x40  }
0x77: {  	[sflag:s8] =	ssyncset.done $0x0  }
0x78: {  	[sflag:s8] =	ssyncadd.s32 $0xFFFFFFC0  }
0x79: {  	v3 =	vld [tilespmem:$0x0];
	_ =	sdelay $0x4  }
0x7a: {  	v60 =	vshll.u32 v3, $0x3  }
0x7b: {  	v3 =	vand.u32 $0x7, v3;
	v4 =	vand.u32 $0xFFFFFFC0, v60  }
0x7c: {  	v3 =	vor.u32 v3, v4  }
0x7d: {  	v4 =	vperm.xlane v3, v0;
	_ =	sdelay $0x1  }
0x7e: {  	v4 =	vadd.s32 v1, v4;
	_ =	sdelay $0x4  }
0x7f: {  	[tilespmem:s0], [sflag:$0x1] =	stream.indirect_vreg.gather [hbm4b:s3+s2], $0x80, v4, vm0, $0xb8;
	[tilespmem:$0x10080] =	vst v63  }
0x80: {  	v3 =	vperm.xlane v3, v2  }
0x81: {  	[tilespmem:s20], [sflag:$0x1] =	stream.indirect_vreg.gather [hbm4b:s4+s2], $0x80, v4, vm0, $0xb8;
	[tilespmem:$0x10080] =	vst v63  }
0x82: {  	v3 =	vadd.s32 v1, v3  }
0x83: {  	[tilespmem:s21], [sflag:$0x1] =	stream.indirect_vreg.gather [hbm4b:s5+s2], $0x80, v4, vm0, $0xb8;
	[tilespmem:$0x10080] =	vst v63  }
0x84: {  	_ = 	snop  }
0x85: {  	[tilespmem:s22], [sflag:$0x1] =	stream.indirect_vreg.gather [hbm4b:s6+s2], $0x80, v4, vm0, $0xb8;
	[tilespmem:$0x10080] =	vst v63  }
0x86: {  	_ = 	snop  }
0x87: {  	[tilespmem:s23], [sflag:$0x1] =	stream.indirect_vreg.gather [hbm4b:s3+s2], $0x80, v3, vm0, $0xb8;
	[tilespmem:$0x10080] =	vst v63  }
0x88: {  	_ = 	snop  }
0x89: {  	[tilespmem:s24], [sflag:$0x1] =	stream.indirect_vreg.gather [hbm4b:s4+s2], $0x80, v3, vm0, $0xb8;
	[tilespmem:$0x10080] =	vst v63  }
0x8a: {  	_ = 	snop  }
0x8b: {  	[tilespmem:s25], [sflag:$0x1] =	stream.indirect_vreg.gather [hbm4b:s5+s2], $0x80, v3, vm0, $0xb8;
	[tilespmem:$0x10080] =	vst v63  }
0x8c: {  	_ = 	snop  }
0x8d: {  	[tilespmem:s26], [sflag:$0x1] =	stream.indirect_vreg.gather [hbm4b:s6+s2], $0x80, v3, vm0, $0xb8;
	[tilespmem:$0x10080] =	vst v63  }
0x8e: {  	v3 =	vld [tilespmem:$0x10];
	_ =	sdelay $0x4  }
0x8f: {  	v61 =	vshll.u32 v3, $0x3  }
0x90: {  	v3 =	vand.u32 $0x7, v3;
	v4 =	vand.u32 $0xFFFFFFC0, v61  }
0x91: {  	v3 =	vor.u32 v3, v4  }
0x92: {  	v4 =	vperm.xlane v3, v0;
	_ =	sdelay $0x1  }
0x93: {  	v4 =	vadd.s32 v1, v4;
	_ =	sdelay $0x4  }
0x94: {  	[tilespmem:s28], [sflag:$0x1] =	stream.indirect_vreg.gather [hbm4b:s3+s2], $0x80, v4, vm0, $0xb8;
	[tilespmem:$0x10080] =	vst v63  }
0x95: {  	v3 =	vperm.xlane v3, v2  }
0x96: {  	[tilespmem:s29], [sflag:$0x1] =	stream.indirect_vreg.gather [hbm4b:s4+s2], $0x80, v4, vm0, $0xb8;
	[tilespmem:$0x10080] =	vst v63  }
0x97: {  	v3 =	vadd.s32 v1, v3  }
0x98: {  	[tilespmem:s30], [sflag:$0x1] =	stream.indirect_vreg.gather [hbm4b:s5+s2], $0x80, v4, vm0, $0xb8;
	[tilespmem:$0x10080] =	vst v63  }
0x99: {  	_ = 	snop  }
0x9a: {  	[tilespmem:s31], [sflag:$0x1] =	stream.indirect_vreg.gather [hbm4b:s6+s2], $0x80, v4, vm0, $0xb8;
	[tilespmem:$0x10080] =	vst v63  }
0x9b: {  	s19 =	simm.s32 $0x6080  }
0x9c: {  	[tilespmem:s19], [sflag:$0x1] =	stream.indirect_vreg.gather [hbm4b:s3+s2], $0x80, v3, vm0, $0xb8;
	[tilespmem:$0x10080] =	vst v63  }
0x9d: {  	_ = 	snop  }
0x9e: {  	[tilespmem:s1], [sflag:$0x1] =	stream.indirect_vreg.gather [hbm4b:s4+s2], $0x80, v3, vm0, $0xb8;
	[tilespmem:$0x10080] =	vst v63  }
0x9f: {  	_ = 	snop  }
0xa0: {  	[tilespmem:s10], [sflag:$0x1] =	stream.indirect_vreg.gather [hbm4b:s5+s2], $0x80, v3, vm0, $0xb8;
	[tilespmem:$0x10080] =	vst v63  }
0xa1: {  	_ = 	snop  }
0xa2: {  	[tilespmem:s11], [sflag:$0x1] =	stream.indirect_vreg.gather [hbm4b:s6+s2], $0x80, v3, vm0, $0xb8;
	[tilespmem:$0x10080] =	vst v63  }
0xa3: {  	v3 =	vld [tilespmem:$0x20];
	_ =	sdelay $0x4  }
0xa4: {  	v62 =	vshll.u32 v3, $0x3  }
0xa5: {  	v3 =	vand.u32 $0x7, v3;
	v4 =	vand.u32 $0xFFFFFFC0, v62  }
0xa6: {  	v3 =	vor.u32 v3, v4  }
0xa7: {  	v4 =	vperm.xlane v3, v0;
	_ =	sdelay $0x1  }
0xa8: {  	v4 =	vadd.s32 v1, v4;
	_ =	sdelay $0x4  }
0xa9: {  	[tilespmem:s12], [sflag:$0x1] =	stream.indirect_vreg.gather [hbm4b:s3+s2], $0x80, v4, vm0, $0xb8;
	[tilespmem:$0x10080] =	vst v63  }
0xaa: {  	v3 =	vperm.xlane v3, v2  }
0xab: {  	[tilespmem:s13], [sflag:$0x1] =	stream.indirect_vreg.gather [hbm4b:s4+s2], $0x80, v4, vm0, $0xb8;
	[tilespmem:$0x10080] =	vst v63  }
0xac: {  	v3 =	vadd.s32 v1, v3  }
0xad: {  	[tilespmem:s14], [sflag:$0x1] =	stream.indirect_vreg.gather [hbm4b:s5+s2], $0x80, v4, vm0, $0xb8;
	[tilespmem:$0x10080] =	vst v63  }
0xae: {  	_ = 	snop  }
0xaf: {  	[tilespmem:s15], [sflag:$0x1] =	stream.indirect_vreg.gather [hbm4b:s6+s2], $0x80, v4, vm0, $0xb8;
	[tilespmem:$0x10080] =	vst v63  }
0xb0: {  	_ = 	snop  }
0xb1: {  	[tilespmem:s16], [sflag:$0x1] =	stream.indirect_vreg.gather [hbm4b:s3+s2], $0x80, v3, vm0, $0xb8;
	[tilespmem:$0x10080] =	vst v63  }
0xb2: {  	_ = 	snop  }
0xb3: {  	[tilespmem:s17], [sflag:$0x1] =	stream.indirect_vreg.gather [hbm4b:s4+s2], $0x80, v3, vm0, $0xb8;
	[tilespmem:$0x10080] =	vst v63  }
0xb4: {  	_ = 	snop  }
0xb5: {  	[tilespmem:s9], [sflag:$0x1] =	stream.indirect_vreg.gather [hbm4b:s5+s2], $0x80, v3, vm0, $0xb8;
	[tilespmem:$0x10080] =	vst v63  }
0xb6: {  	s19 =	simm.s32 $0xB880  }
0xb7: {  	[tilespmem:s19], [sflag:$0x1] =	stream.indirect_vreg.gather [hbm4b:s6+s2], $0x80, v3, vm0, $0xb8;
	[tilespmem:$0x10080] =	vst v63  }
0xb8: {  	v3 =	vld [tilespmem:$0x30];
	_ =	sdelay $0x4  }
0xb9: {  	v63 =	vshll.u32 v3, $0x3  }
0xba: {  	v3 =	vand.u32 $0x7, v3;
	v4 =	vand.u32 $0xFFFFFFC0, v63  }
0xbb: {  	v3 =	vor.u32 v3, v4  }
0xbc: {  	v4 =	vperm.xlane v3, v0;
	_ =	sdelay $0x1  }
0xbd: {  	v4 =	vadd.s32 v1, v4;
	_ =	sdelay $0x3  }
0xbe: {  	s19 =	simm.s32 $0xC080  }
0xbf: {  	[tilespmem:s19], [sflag:$0x1] =	stream.indirect_vreg.gather [hbm4b:s3+s2], $0x80, v4, vm0, $0xb8;
	[tilespmem:$0x10080] =	vst v63  }
0xc0: {  	v3 =	vperm.xlane v3, v2;
	s19 =	simm.s32 $0xC880  }
0xc1: {  	[tilespmem:s19], [sflag:$0x1] =	stream.indirect_vreg.gather [hbm4b:s4+s2], $0x80, v4, vm0, $0xb8;
	[tilespmem:$0x10080] =	vst v63  }
0xc2: {  	v3 =	vadd.s32 v1, v3;
	s19 =	simm.s32 $0xD080  }
0xc3: {  	[tilespmem:s19], [sflag:$0x1] =	stream.indirect_vreg.gather [hbm4b:s5+s2], $0x80, v4, vm0, $0xb8;
	[tilespmem:$0x10080] =	vst v63  }
0xc4: {  	s19 =	simm.s32 $0xD880  }
0xc5: {  	[tilespmem:s19], [sflag:$0x1] =	stream.indirect_vreg.gather [hbm4b:s6+s2], $0x80, v4, vm0, $0xb8;
	[tilespmem:$0x10080] =	vst v63  }
0xc6: {  	s19 =	simm.s32 $0xE080  }
0xc7: {  	[tilespmem:s19], [sflag:$0x1] =	stream.indirect_vreg.gather [hbm4b:s3+s2], $0x80, v3, vm0, $0xb8;
	[tilespmem:$0x10080] =	vst v63  }
0xc8: {  	s19 =	simm.s32 $0xE880  }
0xc9: {  	[tilespmem:s19], [sflag:$0x1] =	stream.indirect_vreg.gather [hbm4b:s4+s2], $0x80, v3, vm0, $0xb8;
	[tilespmem:$0x10080] =	vst v63  }
0xca: {  	s19 =	simm.s32 $0xF080  }
0xcb: {  	[tilespmem:s19], [sflag:$0x1] =	stream.indirect_vreg.gather [hbm4b:s5+s2], $0x80, v3, vm0, $0xb8;
	[tilespmem:$0x10080] =	vst v63  }
0xcc: {  	s19 =	simm.s32 $0xF880  }
0xcd: {  	[tilespmem:s19], [sflag:$0x1] =	stream.indirect_vreg.gather [hbm4b:s6+s2], $0x80, v3, vm0, $0xb8;
	[tilespmem:$0x10080] =	vst v63  }
0xce: {  	_ =	swait.ge [sflag:s18], $0x10000  }
0xcf: {  	p0 =	sne.s32 s7, $0x1;
	[sflag:s18] =	ssyncset.done $0x0  }
.Ltmp0:
0xd0: {  	s1 =	rddreg [dreg:$0x6];
	[sflag:s18] =	ssyncadd.s32 $0xFFFF0000;
	(pc) =	sbr.rel @p0 .LBB2_1-.Ltmp0, $4  }
0xd1: {  	[hbm4b:s1+s2] =	stream.linear.scatter [tilespmem:s0], [sflag:$0x2], $0x10000, $0x38;
	[tilespmem:$0x10080] =	vst v63  }
0xd2: {  	_ =	swait.ge [sflag:s8], $0x10000  }
0xd3: {  	[sflag:s8] =	ssyncset.done $0x0  }
0xd4: {  	s7 =	sadd.s32 $0xFFFFFFFF, s7;
	[sflag:s8] =	ssyncadd.s32 $0xFFFF0000  }
0xd5: {  	_ =	sfence.sel $0x180000  }
0xd6: {  	[bflag:$0x0] =	sbarrier.arrive $0xFFFF  }
0xd7: {  	_ =	strace $0x9000004A  }
0xd8: {  	s0 =	stileid.u32;
	[bflag:$0x2] =	sbarrier.arrive $0xFFFF  }
0xd9: {  	p0 =	sne.s32 s0, $0x0;
	s0 =	rddreg [dreg:$0x2]  }
0xda: {  	s0 =	sadd.s32 @!p0 $0x100000, s0  }
0xdb: {  	[sflag:s0] =	ssyncadd.tile.s32 @!p0 $0x1;
	_ =	shalt  }
.Lfunc_end2:
_tile_overlayer_lowered:
.L_overlay_start_2:
0xdc: {  	(tag) =	ssettag $0x2  }
0xdd: {  	s0 =	rddreg [dreg:$0x0];
	s2 =	stileid.u32  }
0xde: {  	s1 =	rddreg [dreg:$0x1];
	p0 =	sne.s32 s2, $0x0  }
0xdf: {  	s3 =	rddreg [dreg:$0x2];
	[bflag:$0x3] =	sbarrier.arrive $0xFFFF;
	s2 =	simm.s32 @!p0 $0x1C02  }
0xe0: {  	[timem:s3], [sflag:s2] =	dma.local @!p0 [hbm:s0], s1  }
0xe1: {  	s0 =	simm.s32 @!p0 $0x2  }
0xe2: {  	_ =	swait.ge @!p0 [sflag:s0], s1  }
0xe3: {  	s1 =	ssub.s32 @!p0 $0x0, s1;
	[sflag:s0] =	ssyncset.done @!p0 $0x0  }
0xe4: {  	[sflag:s0] =	ssyncadd.s32 @!p0 s1  }
0xe5: {  	[bflag:$0x3] =	sbarrier.arrive $0xFFFF  }
0xe6: {  	_ =	shalt  }

// kernel: kernel.9.cloned.1.call-start
scs
__scs_entry_jumppad:
0x0: {  	(pc) =	sbr.rel $0x88, $3  }
0x1: {  	(tag) =	ssettag $0x0;
	lr =	simm.s32 $0x1  }
0x2: {  	[smem:$0x3F99] =	sst lr;
	_ =	strace $0xD0000000  }
0x3: {  	_ = 	snop  }
0x4: {  	_ = 	snop  }
0x5: {  	_ = 	snop  }
0x6: {  	_ = 	snop  }
0x7: {  	_ = 	snop  }
__scs_overlays_trampoline_lowered:
0x8: {  	[smem:$0x3FA8] =	sst s0  }
0x9: {  	[smem:$0x3FA9] =	sst s1  }
0xa: {  	[smem:$0x3FAA] =	sst s2  }
0xb: {  	[smem:$0x3FAB] =	sst s3  }
0xc: {  	[smem:$0x3FAC] =	sst s4  }
0xd: {  	[smem:$0x3FAD] =	sst s5  }
0xe: {  	[smem:$0x3FAE] =	sst s6  }
0xf: {  	[smem:$0x3FAF] =	sst s7  }
0x10: {  	[smem:$0x3FB0] =	sst s8  }
0x11: {  	[smem:$0x3FB1] =	sst s9;
	s0 =	simm.s32 @!p0 $0x0  }
0x12: {  	s1 =	sld [smem:$0x3F97];
	s0 =	simm.s32 @p0 $0x1  }
0x13: {  	[smem:$0x3FB2] =	sst s0;
	s0 =	simm.s32 @!p1 $0x0  }
0x14: {  	s2 =	sld [smem:$0x3F96];
	s0 =	simm.s32 @p1 $0x1  }
0x15: {  	[smem:$0x3FB3] =	sst s0;
	s0 =	simm.s32 @!p2 $0x0  }
0x16: {  	s3 =	sld [smem:$0x3FDB];
	s0 =	simm.s32 @p2 $0x1  }
0x17: {  	s4 =	simm.s32 $0x1BF5;
	[smem:$0x3FB5] =	sst s0  }
0x18: {  	s0 =	sld [smem:$0x3F98];
	_ =	swait.ge [sflag:s4], $0x0  }
0x19: {  	s7 =	sld [smem:$0x3F99]  }
0x1a: {  	s8 =	sadd.s32 $0xFFFFE003, lr  }
0x1b: {  	s9 =	sadd.s32 $0xFFFFFEF7, lr;
	s5 =	simm.s32 $0xFFFFFFFF;
	p2 =	slt.u32 s8, $0xFFFFF086  }
0x1c: {  	p1 =	slt.u32 s9, $0xF7A;
	s5 =	simm.s32 @!p2 $0x0  }
0x1d: {  	s5 =	simm.s32 @p1 $0x1;
	p0 =	seq.s32 s7, s2  }
0x1e: {  	s7 =	smul.u32 @!p0 $0xF7A, s2;
	p2 =	seq.s32 @!p0 s5, $0x0  }
0x1f: {  	s9 =	smul.u32 $0xF7A, s1;
	s8 =	simm.s32 @!p0 $0x1BF5;
	p2 =	por !p2, p0  }
0x20: {  	[sflag:s8] =	ssyncset.s32 @!p0 $0xFFFFF086;
	s6 =	sadd.s32 @!p0 s3, s7;
	s7 =	simm.s32 @!p0 $0x108  }
0x21: {  	s3 =	sadd.s32 s3, s9;
	s6 =	sadd.s32 @!p0 $0x88, s6;
	s7 =	simm.s32 @p2 $0x1082  }
0x22: {  	[simem:s7], [sflag:s8] =	dma.local @!p0 [hbm:s6], $0xF7A  }
0x23: {  	s9 =	sor.u32 $0xD0000000, s2;
	s6 =	simm.s32 $0x108;
	_ =	swait.ge @!p0 [sflag:s8], $0x0  }
0x24: {  	s3 =	sadd.s32 $0x88, s3;
	s6 =	simm.s32 @!p1 $0x1082;
	[sflag:s4] =	ssyncset.s32 $0xFFFFF086  }
0x25: {  	[simem:s6], [sflag:s4] =	dma.local [hbm:s3], $0xF7A  }
0x26: {  	[smem:$0x3F99] =	sst s1;
	(tag) =	ssettag s2;
	_ =	strace s9  }
0x27: {  	s1 =	sld [smem:$0x3FA9]  }
0x28: {  	s2 =	sld [smem:$0x3FAA]  }
0x29: {  	s4 =	sld [smem:$0x3FAC]  }
0x2a: {  	p0 =	seq.s32 s5, $0x0;
	s5 =	sld [smem:$0x3FAD]  }
0x2b: {  	s6 =	sld [smem:$0x3FAE]  }
0x2c: {  	s7 =	sld [smem:$0x3FAF]  }
0x2d: {  	s3 =	simm.s32 $0x108;
	s8 =	sld [smem:$0x3FB0]  }
0x2e: {  	s3 =	simm.s32 @!p0 $0x1082;
	s9 =	sld [smem:$0x3FB1]  }
0x2f: {  	lr =	sadd.s32 s0, s3;
	s0 =	sld [smem:$0x3FA8]  }
0x30: {  	s3 =	sld [smem:$0x3FAB]  }
0x31: {  	[smem:$0x3FB4] =	sst s10  }
0x32: {  	s10 =	sld [smem:$0x3FB2];
	_ =	sdelay $0x3  }
0x33: {  	p0 =	seq.s32 s10, $0x1;
	s10 =	sld [smem:$0x3FB4];
	_ =	sdelay $0x3  }
0x34: {  	[smem:$0x3FB4] =	sst s10  }
0x35: {  	s10 =	sld [smem:$0x3FB3];
	_ =	sdelay $0x3  }
0x36: {  	p1 =	seq.s32 s10, $0x1;
	s10 =	sld [smem:$0x3FB4];
	_ =	sdelay $0x3  }
0x37: {  	[smem:$0x3FB4] =	sst s10  }
0x38: {  	s10 =	sld [smem:$0x3FB5]  }
0x39: {  	_ = 	snop;
	(pc) =	sbr.ind lr, $3  }
0x3a: {  	_ = 	snop  }
0x3b: {  	_ = 	snop  }
0x3c: {  	p2 =	seq.s32 s10, $0x1;
	s10 =	sld [smem:$0x3FB4]  }
0x3d: {  	_ =	shalt  }
0x3e: {  	_ =	shalt  }
0x3f: {  	_ =	shalt  }
0x40: {  	_ =	shalt  }
0x41: {  	_ =	shalt  }
0x42: {  	_ =	shalt  }
0x43: {  	_ =	shalt  }
0x44: {  	_ =	shalt  }
0x45: {  	_ =	shalt  }
0x46: {  	_ =	shalt  }
0x47: {  	_ =	shalt  }
0x48: {  	_ =	shalt  }
0x49: {  	_ =	shalt  }
0x4a: {  	_ =	shalt  }
0x4b: {  	_ =	shalt  }
0x4c: {  	_ =	shalt  }
0x4d: {  	_ =	shalt  }
0x4e: {  	_ =	shalt  }
0x4f: {  	_ =	shalt  }
0x50: {  	_ =	shalt  }
0x51: {  	_ =	shalt  }
0x52: {  	_ =	shalt  }
0x53: {  	_ =	shalt  }
0x54: {  	_ =	shalt  }
0x55: {  	_ =	shalt  }
0x56: {  	_ =	shalt  }
0x57: {  	_ =	shalt  }
0x58: {  	_ =	shalt  }
0x59: {  	_ =	shalt  }
0x5a: {  	_ =	shalt  }
0x5b: {  	_ =	shalt  }
0x5c: {  	_ =	shalt  }
0x5d: {  	_ =	shalt  }
0x5e: {  	_ =	shalt  }
0x5f: {  	_ =	shalt  }
0x60: {  	_ =	shalt  }
0x61: {  	_ =	shalt  }
0x62: {  	_ =	shalt  }
0x63: {  	_ =	shalt  }
0x64: {  	_ =	shalt  }
0x65: {  	_ =	shalt  }
0x66: {  	_ =	shalt  }
0x67: {  	_ =	shalt  }
0x68: {  	_ =	shalt  }
0x69: {  	_ =	shalt  }
0x6a: {  	_ =	shalt  }
0x6b: {  	_ =	shalt  }
0x6c: {  	_ =	shalt  }
0x6d: {  	_ =	shalt  }
0x6e: {  	_ =	shalt  }
0x6f: {  	_ =	shalt  }
0x70: {  	_ =	shalt  }
0x71: {  	_ =	shalt  }
0x72: {  	_ =	shalt  }
0x73: {  	_ =	shalt  }
0x74: {  	_ =	shalt  }
0x75: {  	_ =	shalt  }
0x76: {  	_ =	shalt  }
0x77: {  	_ =	shalt  }
0x78: {  	_ =	shalt  }
0x79: {  	_ =	shalt  }
0x7a: {  	_ =	shalt  }
0x7b: {  	_ =	shalt  }
0x7c: {  	_ =	shalt  }
0x7d: {  	_ =	shalt  }
0x7e: {  	_ =	shalt  }
0x7f: {  	_ =	shalt  }
0x80: {  	_ =	shalt  }
0x81: {  	_ =	shalt  }
0x82: {  	_ =	shalt  }
0x83: {  	_ =	shalt  }
0x84: {  	_ =	shalt  }
0x85: {  	_ =	shalt  }
0x86: {  	_ =	shalt  }
0x87: {  	_ =	shalt  }
.Lfunc_end0:
.L_simem_size_0:
called_computation_lowered:
.L_overlay_start_0:
0x88: {  	s2 =	sld [smem:$0x3FD9]  }
0x89: {  	s3 =	sld [smem:$0x3FFE];
	_ =	sdelay $0x1  }
0x8a: {  	s1 =	srdreg.scid  }
0x8b: {  	s0 =	sand.u32 $0x1, s1  }
0x8c: {  	s17 =	sshll.u32 s0, $0xA;
	s2 =	sadd.s32 s3, s2  }
0x8d: {  	s2 =	sadd.s32 s2, s17  }
0x8e: {  	[smem:$0x3FC0] =	sst s2  }
0x8f: {  	_ = 	snop  }
0x90: {  	s2 =	sld [smem:$0x3FC9];
	(tm) =	ssettm $0x1  }
0x91: {  	s18 =	sld [smem:$0x3FFB];
	_ =	sdelay $0x3  }
0x92: {  	_ =	strace s18  }
0x93: {  	s3 =	sld [smem:$0x3FFC];
	_ =	sdelay $0x3  }
0x94: {  	_ =	strace s3  }
0x95: {  	s3 =	sld [smem:$0x3FFD];
	_ =	sdelay $0x3  }
0x96: {  	_ =	strace s3  }
0x97: {  	_ =	strace $0x8FFFFFFF  }
0x98: {  	s19 =	sld [smem:$0x3FDB];
	_ =	sdelay $0x1  }
0x99: {  	s4 =	simm.s32 $_scs_section_size  }
0x9a: {  	s5 =	simm.s32 $_size__tile_overlayer_lowered;
	s6 =	simm.s32 $_tile_overlayer_lowered  }
0x9b: {  	s22 =	simm.s32 $0x1BFF;
	s21 =	sshll.u32 s6, $0x1;
	s3 =	sadd.s32 s4, s19  }
0x9c: {  	s7 =	simm.s32 $0x0;
	s20 =	sshll.u32 s5, $0x1;
	s5 =	sadd.s32 s21, s3  }
0x9d: {  	[timem:s7], [sflag:s22] =	dma.local [hbm:s5], s20  }
0x9e: {  	_ =	swait.ge [sflag:s22], s20  }
0x9f: {  	s4 =	ssub.s32 $0x0, s20;
	[sflag:s22] =	ssyncset.done $0x0  }
0xa0: {  	[sflag:s22] =	ssyncadd.s32 s4;
	_ =	sdelay $0x1  }
0xa1: {  	s23 =	simm.s32 $0x1B8B  }
0xa2: {  	_ =	swait.ge [sflag:s23], $0x1  }
0xa3: {  	[sflag:s23] =	ssyncset.done $0x0  }
0xa4: {  	s25 =	simm.s32 $0x1B8E;
	s24 =	sld [smem:$0x3FFE];
	[sflag:s23] =	ssyncadd.s32 $0xFFFFFFFF  }
0xa5: {  	s26 =	simm.s32 $execute0_lowered;
	[smem:$0x3FD2] =	sst s25  }
0xa6: {  	s5 =	sshll.u32 s26, $0x1;
	_ =	strace $0x80000046;
	[dreg:$0x1] =	wrdreg $0xFFFFFFFF  }
0xa7: {  	s28 =	simm.s32 $_size_execute0_lowered;
	s3 =	sadd.s32 s3, s5;
	[dreg:$0x0] =	wrdreg $0x0  }
0xa8: {  	s5 =	sshll.u32 s28, $0x1;
	[dreg:$0x2] =	wrdreg s3  }
0xa9: {  	[dreg:$0x3] =	wrdreg s5  }
0xaa: {  	[dreg:$0x4] =	wrdreg $0xC0  }
0xab: {  	_ =	task [dreg:s7], $0x5FFFF  }
0xac: {  	[dreg:$0x1] =	wrdreg $0xFFFFFFFF  }
0xad: {  	[dreg:$0x0] =	wrdreg $0x60  }
0xae: {  	[dreg:$0x2] =	wrdreg s2  }
0xaf: {  	[dreg:$0x3] =	wrdreg s24  }
0xb0: {  	[dreg:$0x4] =	wrdreg $0x9  }
0xb1: {  	_ =	task.clear_ibuf [dreg:s7], $0x5FFFF;
	_ =	strace $0x90000046  }
0xb2: {  	s29 =	simm.s32 $0x9;
	_ =	strace $0x80000048  }
0xb3: {  	_ =	swait.ge [sflag:s29], $0x1  }
0xb4: {  	[sflag:s29] =	ssyncadd.s32 $0xFFFFFFFF  }
0xb5: {  	_ =	strace $0x90000048  }
0xb6: {  	_ =	sfence  }
0xb7: {  	s30 =	sld [smem:$0x0];
	_ =	sdelay $0x2  }
0xb8: {  	s31 =	sshll.u32 s1, $0xD;
	s1 =	sshrl.u32 s1, $0x2  }
0xb9: {  	s3 =	sand.u32 $0x4000, s31;
	s1 =	sadd.s32 s1, s30  }
0xba: {  	s0 =	sor.u32 s3, s0;
	s1 =	sshll.u32 s1, $0x11  }
0xbb: {  	s0 =	sor.u32 s1, s0  }
0xbc: {  	s0 =	sadd.s32 $0x8F2B, s0  }
0xbd: {  	[sflag:s0] =	ssyncadd.remote.s32 $0x1  }
0xbe: {  	_ =	sfence.sel $0xFFFF  }
0xbf: {  	[dreg:$0x0] =	wrdreg $0xFFFFFFFF;
	(pc) =	sbr.abs _section_cstart, $3  }
0xc0: {  	[dreg:$0x1] =	wrdreg $0xFFFFFFFF  }
0xc1: {  	_ =	task.clear_ibuf [dreg:s7], $0x2FFFF;
	_ =	strace $0x9FFFFFFF  }
0xc2: {  	(tm) =	ssettm $0x7FFFFFFF  }
0xc3: {  	_ =	shalt  }
tec
execute0_lowered:
.L_overlay_start_1:
0x0: {  	(tag) =	ssettag $0x1  }
0x1: {  	s0 =	srdreg.scid  }
0x2: {  	s1 =	rddreg [dreg:$0x0];
	s2 =	stileid.u32  }
0x3: {  	s6 =	rddreg [dreg:$0x1];
	s26 =	simm.s32 $0x80;
	s8 =	simm.s32 $0x2  }
0x4: {  	s18 =	simm.s32 $0x100;
	s21 =	simm.s32 $0x1900;
	s22 =	simm.s32 $0x2100  }
0x5: {  	s23 =	simm.s32 $0x2900;
	s24 =	simm.s32 $0x3100;
	s28 =	simm.s32 $0x4900  }
0x6: {  	s29 =	simm.s32 $0x5100;
	s30 =	simm.s32 $0x5900;
	s31 =	simm.s32 $0x6100  }
0x7: {  	s10 =	simm.s32 $0x7900;
	s11 =	simm.s32 $0x8100;
	s12 =	simm.s32 $0x8900  }
0x8: {  	s13 =	simm.s32 $0x9100;
	s14 =	simm.s32 $0x9900;
	s15 =	simm.s32 $0xA100  }
0x9: {  	s16 =	simm.s32 $0xA900;
	s17 =	simm.s32 $0xB100;
	s9 =	simm.s32 $0xB900  }
0xa: {  	s0 =	sand.u32 $0x1, s0;
	s3 =	sshll.u32 s2, $0x7;
	s2 =	simm.s32 $0x0  }
0xb: {  	s4 =	sshll.u32 s0, $0x6;
	[smem:$0x7FF] =	sst s2;
	s0 =	ssub.s32 $0x2, s0  }
0xc: {  	s4 =	sor.u32 s4, s3;
	_ =	strace $0x80000047;
	s25 =	sshrl.u32 s0, $0x1  }
0xd: {  	[dreg:$0x6] =	wrdreg s26;
	s3 =	sshrl.u32 s4, $0x3;
	s4 =	sshll.u32 s4, $0x7  }
0xe: {  	s26 =	simm.s32 $0x4100;
	s5 =	sadd.s32 s3, s6;
	s1 =	sadd.s32 s1, s4  }
0xf: {  	s0 =	ssub.s32 s0, s25;
	s7 =	sadd.s32 $0x9400, s5;
	[dreg:$0x5] =	wrdreg s1  }
0x10: {  	v2 =	vlaneseq.u32;
	s25 =	simm.s32 $0x3900;
	s5 =	sadd.s32 $0x9600, s5;
	[dreg:$0x3] =	wrdreg s7  }
0x11: {  	vm0 =	vmmov $0xffff;
	v1 =	vshrl.u32 v2, $0x3;
	s3 =	sadd.s32 $0x9800, s6;
	s4 =	sadd.s32 $0x9900, s6;
	[dreg:$0x4] =	wrdreg s5  }
0x12: {  	v0 =	vand.u32 $0x7, v2;
	v2 =	vor.u32 $0x8, v2;
	v1 =	vmul.u32 $0x8, v1;
	s5 =	sadd.s32 $0x9A00, s6;
	s6 =	sadd.s32 $0x9B00, s6;
	s7 =	smax.u32 s0, $0x1  }
.LBB2_1:
0x13: {  	s19 =	rddreg [dreg:$0x3]  }
0x14: {  	[tilespmem:s2], [sflag:$0x2] =	stream.linear.gather [hbm4b:s19+s2], $0x40, $0x38;
	[tilespmem:$0x10100] =	vst v63  }
0x15: {  	_ =	swait.ge [sflag:s8], $0x40  }
0x16: {  	s0 =	rddreg [dreg:$0x4];
	[sflag:s8] =	ssyncset.done $0x0  }
0x17: {  	s20 =	rddreg [dreg:$0x6];
	[sflag:s8] =	ssyncadd.s32 $0xFFFFFFC0  }
0x18: {  	[tilespmem:s20], [sflag:$0x2] =	stream.linear.gather [hbm4b:s0+s2], $0x40, $0x38;
	[tilespmem:$0x10100] =	vst v63  }
0x19: {  	_ =	swait.ge [sflag:s8], $0x40  }
0x1a: {  	[sflag:s8] =	ssyncset.done $0x0  }
0x1b: {  	s1 =	rddreg [dreg:$0x5];
	[sflag:s8] =	ssyncadd.s32 $0xFFFFFFC0  }
0x1c: {  	[tilespmem:s18], [sflag:$0x2] =	stream.linear.gather [hbm4b:s1+s2], $0x10000, $0x38;
	[tilespmem:$0x10100] =	vst v63  }
0x1d: {  	_ =	swait.ge [sflag:s8], $0x10000  }
0x1e: {  	[sflag:s8] =	ssyncset.done $0x0  }
0x1f: {  	[sflag:s8] =	ssyncadd.s32 $0xFFFF0000  }
0x20: {  	v3 =	vld [tilespmem:$0x0];
	_ =	sdelay $0x4  }
0x21: {  	v4 =	vshll.u32 v3, $0x3  }
0x22: {  	v3 =	vand.u32 $0x7, v3;
	v4 =	vand.u32 $0xFFFFFFC0, v4  }
0x23: {  	v3 =	vor.u32 v3, v4  }
0x24: {  	v4 =	vperm.xlane v3, v0;
	_ =	sdelay $0x1  }
0x25: {  	v4 =	vadd.s32 v1, v4;
	_ =	sdelay $0x4  }
0x26: {  	[hbm4b:s3+s2] =	stream.indirect_vreg.scatter [tilespmem:s18], [sflag:$0x1], $0x80, v4, vm0, $0xb8;
	[tilespmem:$0x10100] =	vst v63  }
0x27: {  	s19 =	simm.s32 $0x900;
	v3 =	vperm.xlane v3, v2  }
0x28: {  	[hbm4b:s4+s2] =	stream.indirect_vreg.scatter [tilespmem:s19], [sflag:$0x1], $0x80, v4, vm0, $0xb8;
	[tilespmem:$0x10100] =	vst v63  }
0x29: {  	s20 =	simm.s32 $0x1100;
	v3 =	vadd.s32 v1, v3  }
0x2a: {  	[hbm4b:s5+s2] =	stream.indirect_vreg.scatter [tilespmem:s20], [sflag:$0x1], $0x80, v4, vm0, $0xb8;
	[tilespmem:$0x10100] =	vst v63  }
0x2b: {  	_ = 	snop  }
0x2c: {  	[hbm4b:s6+s2] =	stream.indirect_vreg.scatter [tilespmem:s21], [sflag:$0x1], $0x80, v4, vm0, $0xb8;
	[tilespmem:$0x10100] =	vst v63  }
0x2d: {  	_ = 	snop  }
0x2e: {  	[hbm4b:s3+s2] =	stream.indirect_vreg.scatter [tilespmem:s22], [sflag:$0x1], $0x80, v3, vm0, $0xb8;
	[tilespmem:$0x10100] =	vst v63  }
0x2f: {  	_ = 	snop  }
0x30: {  	[hbm4b:s4+s2] =	stream.indirect_vreg.scatter [tilespmem:s23], [sflag:$0x1], $0x80, v3, vm0, $0xb8;
	[tilespmem:$0x10100] =	vst v63  }
0x31: {  	_ = 	snop  }
0x32: {  	[hbm4b:s5+s2] =	stream.indirect_vreg.scatter [tilespmem:s24], [sflag:$0x1], $0x80, v3, vm0, $0xb8;
	[tilespmem:$0x10100] =	vst v63  }
0x33: {  	_ = 	snop  }
0x34: {  	[hbm4b:s6+s2] =	stream.indirect_vreg.scatter [tilespmem:s25], [sflag:$0x1], $0x80, v3, vm0, $0xb8;
	[tilespmem:$0x10100] =	vst v63  }
0x35: {  	v3 =	vld [tilespmem:$0x10];
	_ =	sdelay $0x4  }
0x36: {  	v57 =	vshll.u32 v3, $0x3  }
0x37: {  	v3 =	vand.u32 $0x7, v3;
	v4 =	vand.u32 $0xFFFFFFC0, v57  }
0x38: {  	v3 =	vor.u32 v3, v4  }
0x39: {  	v4 =	vperm.xlane v3, v0;
	_ =	sdelay $0x1  }
0x3a: {  	v4 =	vadd.s32 v1, v4;
	_ =	sdelay $0x4  }
0x3b: {  	[hbm4b:s3+s2] =	stream.indirect_vreg.scatter [tilespmem:s26], [sflag:$0x1], $0x80, v4, vm0, $0xb8;
	[tilespmem:$0x10100] =	vst v63  }
0x3c: {  	v3 =	vperm.xlane v3, v2  }
0x3d: {  	[hbm4b:s4+s2] =	stream.indirect_vreg.scatter [tilespmem:s28], [sflag:$0x1], $0x80, v4, vm0, $0xb8;
	[tilespmem:$0x10100] =	vst v63  }
0x3e: {  	v3 =	vadd.s32 v1, v3  }
0x3f: {  	[hbm4b:s5+s2] =	stream.indirect_vreg.scatter [tilespmem:s29], [sflag:$0x1], $0x80, v4, vm0, $0xb8;
	[tilespmem:$0x10100] =	vst v63  }
0x40: {  	_ = 	snop  }
0x41: {  	[hbm4b:s6+s2] =	stream.indirect_vreg.scatter [tilespmem:s30], [sflag:$0x1], $0x80, v4, vm0, $0xb8;
	[tilespmem:$0x10100] =	vst v63  }
0x42: {  	_ = 	snop  }
0x43: {  	[hbm4b:s3+s2] =	stream.indirect_vreg.scatter [tilespmem:s31], [sflag:$0x1], $0x80, v3, vm0, $0xb8;
	[tilespmem:$0x10100] =	vst v63  }
0x44: {  	s1 =	simm.s32 $0x6900  }
0x45: {  	[hbm4b:s4+s2] =	stream.indirect_vreg.scatter [tilespmem:s1], [sflag:$0x1], $0x80, v3, vm0, $0xb8;
	[tilespmem:$0x10100] =	vst v63  }
0x46: {  	s0 =	simm.s32 $0x7100  }
0x47: {  	[hbm4b:s5+s2] =	stream.indirect_vreg.scatter [tilespmem:s0], [sflag:$0x1], $0x80, v3, vm0, $0xb8;
	[tilespmem:$0x10100] =	vst v63  }
0x48: {  	_ = 	snop  }
0x49: {  	[hbm4b:s6+s2] =	stream.indirect_vreg.scatter [tilespmem:s10], [sflag:$0x1], $0x80, v3, vm0, $0xb8;
	[tilespmem:$0x10100] =	vst v63  }
0x4a: {  	v3 =	vld [tilespmem:$0x20];
	_ =	sdelay $0x4  }
0x4b: {  	v58 =	vshll.u32 v3, $0x3  }
0x4c: {  	v3 =	vand.u32 $0x7, v3;
	v4 =	vand.u32 $0xFFFFFFC0, v58  }
0x4d: {  	v3 =	vor.u32 v3, v4  }
0x4e: {  	v4 =	vperm.xlane v3, v0;
	_ =	sdelay $0x1  }
0x4f: {  	v4 =	vadd.s32 v1, v4;
	_ =	sdelay $0x4  }
0x50: {  	[hbm4b:s3+s2] =	stream.indirect_vreg.scatter [tilespmem:s11], [sflag:$0x1], $0x80, v4, vm0, $0xb8;
	[tilespmem:$0x10100] =	vst v63  }
0x51: {  	v3 =	vperm.xlane v3, v2  }
0x52: {  	[hbm4b:s4+s2] =	stream.indirect_vreg.scatter [tilespmem:s12], [sflag:$0x1], $0x80, v4, vm0, $0xb8;
	[tilespmem:$0x10100] =	vst v63  }
0x53: {  	v3 =	vadd.s32 v1, v3  }
0x54: {  	[hbm4b:s5+s2] =	stream.indirect_vreg.scatter [tilespmem:s13], [sflag:$0x1], $0x80, v4, vm0, $0xb8;
	[tilespmem:$0x10100] =	vst v63  }
0x55: {  	_ = 	snop  }
0x56: {  	[hbm4b:s6+s2] =	stream.indirect_vreg.scatter [tilespmem:s14], [sflag:$0x1], $0x80, v4, vm0, $0xb8;
	[tilespmem:$0x10100] =	vst v63  }
0x57: {  	_ = 	snop  }
0x58: {  	[hbm4b:s3+s2] =	stream.indirect_vreg.scatter [tilespmem:s15], [sflag:$0x1], $0x80, v3, vm0, $0xb8;
	[tilespmem:$0x10100] =	vst v63  }
0x59: {  	_ = 	snop  }
0x5a: {  	[hbm4b:s4+s2] =	stream.indirect_vreg.scatter [tilespmem:s16], [sflag:$0x1], $0x80, v3, vm0, $0xb8;
	[tilespmem:$0x10100] =	vst v63  }
0x5b: {  	_ = 	snop  }
0x5c: {  	[hbm4b:s5+s2] =	stream.indirect_vreg.scatter [tilespmem:s17], [sflag:$0x1], $0x80, v3, vm0, $0xb8;
	[tilespmem:$0x10100] =	vst v63  }
0x5d: {  	_ = 	snop  }
0x5e: {  	[hbm4b:s6+s2] =	stream.indirect_vreg.scatter [tilespmem:s9], [sflag:$0x1], $0x80, v3, vm0, $0xb8;
	[tilespmem:$0x10100] =	vst v63  }
0x5f: {  	v3 =	vld [tilespmem:$0x30];
	_ =	sdelay $0x4  }
0x60: {  	v59 =	vshll.u32 v3, $0x3  }
0x61: {  	v3 =	vand.u32 $0x7, v3;
	v4 =	vand.u32 $0xFFFFFFC0, v59  }
0x62: {  	v3 =	vor.u32 v3, v4  }
0x63: {  	v4 =	vperm.xlane v3, v0;
	_ =	sdelay $0x1  }
0x64: {  	v4 =	vadd.s32 v1, v4;
	_ =	sdelay $0x3  }
0x65: {  	s0 =	simm.s32 $0xC100  }
0x66: {  	[hbm4b:s3+s2] =	stream.indirect_vreg.scatter [tilespmem:s0], [sflag:$0x1], $0x80, v4, vm0, $0xb8;
	[tilespmem:$0x10100] =	vst v63  }
0x67: {  	v3 =	vperm.xlane v3, v2;
	s0 =	simm.s32 $0xC900  }
0x68: {  	[hbm4b:s4+s2] =	stream.indirect_vreg.scatter [tilespmem:s0], [sflag:$0x1], $0x80, v4, vm0, $0xb8;
	[tilespmem:$0x10100] =	vst v63  }
0x69: {  	v3 =	vadd.s32 v1, v3;
	s0 =	simm.s32 $0xD100  }
0x6a: {  	[hbm4b:s5+s2] =	stream.indirect_vreg.scatter [tilespmem:s0], [sflag:$0x1], $0x80, v4, vm0, $0xb8;
	[tilespmem:$0x10100] =	vst v63  }
0x6b: {  	s0 =	simm.s32 $0xD900  }
0x6c: {  	[hbm4b:s6+s2] =	stream.indirect_vreg.scatter [tilespmem:s0], [sflag:$0x1], $0x80, v4, vm0, $0xb8;
	[tilespmem:$0x10100] =	vst v63  }
0x6d: {  	s0 =	simm.s32 $0xE100  }
0x6e: {  	[hbm4b:s3+s2] =	stream.indirect_vreg.scatter [tilespmem:s0], [sflag:$0x1], $0x80, v3, vm0, $0xb8;
	[tilespmem:$0x10100] =	vst v63  }
0x6f: {  	s0 =	simm.s32 $0xE900  }
0x70: {  	[hbm4b:s4+s2] =	stream.indirect_vreg.scatter [tilespmem:s0], [sflag:$0x1], $0x80, v3, vm0, $0xb8;
	[tilespmem:$0x10100] =	vst v63  }
0x71: {  	s0 =	simm.s32 $0xF100  }
0x72: {  	[hbm4b:s5+s2] =	stream.indirect_vreg.scatter [tilespmem:s0], [sflag:$0x1], $0x80, v3, vm0, $0xb8;
	[tilespmem:$0x10100] =	vst v63  }
0x73: {  	s0 =	simm.s32 $0xF900  }
0x74: {  	[hbm4b:s6+s2] =	stream.indirect_vreg.scatter [tilespmem:s0], [sflag:$0x1], $0x80, v3, vm0, $0xb8;
	[tilespmem:$0x10100] =	vst v63  }
0x75: {  	v3 =	vld [tilespmem:$0x80];
	_ =	sdelay $0x4  }
0x76: {  	v60 =	vshll.u32 v3, $0x3  }
0x77: {  	v3 =	vand.u32 $0x7, v3;
	v4 =	vand.u32 $0xFFFFFFC0, v60  }
0x78: {  	v3 =	vor.u32 v3, v4  }
0x79: {  	v4 =	vperm.xlane v3, v0;
	_ =	sdelay $0x1  }
0x7a: {  	v4 =	vadd.s32 v1, v4;
	_ =	sdelay $0x4  }
0x7b: {  	[hbm4b:s3+s2] =	stream.indirect_vreg.scatter [tilespmem:s18], [sflag:$0x1], $0x80, v4, vm0, $0xb8;
	[tilespmem:$0x10100] =	vst v63  }
0x7c: {  	v3 =	vperm.xlane v3, v2  }
0x7d: {  	[hbm4b:s4+s2] =	stream.indirect_vreg.scatter [tilespmem:s19], [sflag:$0x1], $0x80, v4, vm0, $0xb8;
	[tilespmem:$0x10100] =	vst v63  }
0x7e: {  	v3 =	vadd.s32 v1, v3  }
0x7f: {  	[hbm4b:s5+s2] =	stream.indirect_vreg.scatter [tilespmem:s20], [sflag:$0x1], $0x80, v4, vm0, $0xb8;
	[tilespmem:$0x10100] =	vst v63  }
0x80: {  	_ = 	snop  }
0x81: {  	[hbm4b:s6+s2] =	stream.indirect_vreg.scatter [tilespmem:s21], [sflag:$0x1], $0x80, v4, vm0, $0xb8;
	[tilespmem:$0x10100] =	vst v63  }
0x82: {  	_ = 	snop  }
0x83: {  	[hbm4b:s3+s2] =	stream.indirect_vreg.scatter [tilespmem:s22], [sflag:$0x1], $0x80, v3, vm0, $0xb8;
	[tilespmem:$0x10100] =	vst v63  }
0x84: {  	_ = 	snop  }
0x85: {  	[hbm4b:s4+s2] =	stream.indirect_vreg.scatter [tilespmem:s23], [sflag:$0x1], $0x80, v3, vm0, $0xb8;
	[tilespmem:$0x10100] =	vst v63  }
0x86: {  	_ = 	snop  }
0x87: {  	[hbm4b:s5+s2] =	stream.indirect_vreg.scatter [tilespmem:s24], [sflag:$0x1], $0x80, v3, vm0, $0xb8;
	[tilespmem:$0x10100] =	vst v63  }
0x88: {  	_ = 	snop  }
0x89: {  	[hbm4b:s6+s2] =	stream.indirect_vreg.scatter [tilespmem:s25], [sflag:$0x1], $0x80, v3, vm0, $0xb8;
	[tilespmem:$0x10100] =	vst v63  }
0x8a: {  	v3 =	vld [tilespmem:$0x90];
	_ =	sdelay $0x4  }
0x8b: {  	v61 =	vshll.u32 v3, $0x3  }
0x8c: {  	v3 =	vand.u32 $0x7, v3;
	v4 =	vand.u32 $0xFFFFFFC0, v61  }
0x8d: {  	v3 =	vor.u32 v3, v4  }
0x8e: {  	v4 =	vperm.xlane v3, v0;
	_ =	sdelay $0x1  }
0x8f: {  	v4 =	vadd.s32 v1, v4;
	_ =	sdelay $0x4  }
0x90: {  	[hbm4b:s3+s2] =	stream.indirect_vreg.scatter [tilespmem:s26], [sflag:$0x1], $0x80, v4, vm0, $0xb8;
	[tilespmem:$0x10100] =	vst v63  }
0x91: {  	v3 =	vperm.xlane v3, v2  }
0x92: {  	[hbm4b:s4+s2] =	stream.indirect_vreg.scatter [tilespmem:s28], [sflag:$0x1], $0x80, v4, vm0, $0xb8;
	[tilespmem:$0x10100] =	vst v63  }
0x93: {  	v3 =	vadd.s32 v1, v3  }
0x94: {  	[hbm4b:s5+s2] =	stream.indirect_vreg.scatter [tilespmem:s29], [sflag:$0x1], $0x80, v4, vm0, $0xb8;
	[tilespmem:$0x10100] =	vst v63  }
0x95: {  	_ = 	snop  }
0x96: {  	[hbm4b:s6+s2] =	stream.indirect_vreg.scatter [tilespmem:s30], [sflag:$0x1], $0x80, v4, vm0, $0xb8;
	[tilespmem:$0x10100] =	vst v63  }
0x97: {  	_ = 	snop  }
0x98: {  	[hbm4b:s3+s2] =	stream.indirect_vreg.scatter [tilespmem:s31], [sflag:$0x1], $0x80, v3, vm0, $0xb8;
	[tilespmem:$0x10100] =	vst v63  }
0x99: {  	_ = 	snop  }
0x9a: {  	[hbm4b:s4+s2] =	stream.indirect_vreg.scatter [tilespmem:s1], [sflag:$0x1], $0x80, v3, vm0, $0xb8;
	[tilespmem:$0x10100] =	vst v63  }
0x9b: {  	s20 =	simm.s32 $0x7100  }
0x9c: {  	[hbm4b:s5+s2] =	stream.indirect_vreg.scatter [tilespmem:s20], [sflag:$0x1], $0x80, v3, vm0, $0xb8;
	[tilespmem:$0x10100] =	vst v63  }
0x9d: {  	_ = 	snop  }
0x9e: {  	[hbm4b:s6+s2] =	stream.indirect_vreg.scatter [tilespmem:s10], [sflag:$0x1], $0x80, v3, vm0, $0xb8;
	[tilespmem:$0x10100] =	vst v63  }
0x9f: {  	v3 =	vld [tilespmem:$0xA0];
	_ =	sdelay $0x4  }
0xa0: {  	v62 =	vshll.u32 v3, $0x3  }
0xa1: {  	v3 =	vand.u32 $0x7, v3;
	v4 =	vand.u32 $0xFFFFFFC0, v62  }
0xa2: {  	v3 =	vor.u32 v3, v4  }
0xa3: {  	v4 =	vperm.xlane v3, v0;
	_ =	sdelay $0x1  }
0xa4: {  	v4 =	vadd.s32 v1, v4;
	_ =	sdelay $0x4  }
0xa5: {  	[hbm4b:s3+s2] =	stream.indirect_vreg.scatter [tilespmem:s11], [sflag:$0x1], $0x80, v4, vm0, $0xb8;
	[tilespmem:$0x10100] =	vst v63  }
0xa6: {  	v3 =	vperm.xlane v3, v2  }
0xa7: {  	[hbm4b:s4+s2] =	stream.indirect_vreg.scatter [tilespmem:s12], [sflag:$0x1], $0x80, v4, vm0, $0xb8;
	[tilespmem:$0x10100] =	vst v63  }
0xa8: {  	v3 =	vadd.s32 v1, v3  }
0xa9: {  	[hbm4b:s5+s2] =	stream.indirect_vreg.scatter [tilespmem:s13], [sflag:$0x1], $0x80, v4, vm0, $0xb8;
	[tilespmem:$0x10100] =	vst v63  }
0xaa: {  	_ = 	snop  }
0xab: {  	[hbm4b:s6+s2] =	stream.indirect_vreg.scatter [tilespmem:s14], [sflag:$0x1], $0x80, v4, vm0, $0xb8;
	[tilespmem:$0x10100] =	vst v63  }
0xac: {  	_ = 	snop  }
0xad: {  	[hbm4b:s3+s2] =	stream.indirect_vreg.scatter [tilespmem:s15], [sflag:$0x1], $0x80, v3, vm0, $0xb8;
	[tilespmem:$0x10100] =	vst v63  }
0xae: {  	_ = 	snop  }
0xaf: {  	[hbm4b:s4+s2] =	stream.indirect_vreg.scatter [tilespmem:s16], [sflag:$0x1], $0x80, v3, vm0, $0xb8;
	[tilespmem:$0x10100] =	vst v63  }
0xb0: {  	_ = 	snop  }
0xb1: {  	[hbm4b:s5+s2] =	stream.indirect_vreg.scatter [tilespmem:s17], [sflag:$0x1], $0x80, v3, vm0, $0xb8;
	[tilespmem:$0x10100] =	vst v63  }
0xb2: {  	_ = 	snop  }
0xb3: {  	[hbm4b:s6+s2] =	stream.indirect_vreg.scatter [tilespmem:s9], [sflag:$0x1], $0x80, v3, vm0, $0xb8;
	[tilespmem:$0x10100] =	vst v63  }
0xb4: {  	v3 =	vld [tilespmem:$0xB0];
	_ =	sdelay $0x4  }
0xb5: {  	v63 =	vshll.u32 v3, $0x3  }
0xb6: {  	v3 =	vand.u32 $0x7, v3;
	v4 =	vand.u32 $0xFFFFFFC0, v63  }
0xb7: {  	v3 =	vor.u32 v3, v4  }
0xb8: {  	v4 =	vperm.xlane v3, v0;
	_ =	sdelay $0x1  }
0xb9: {  	v4 =	vadd.s32 v1, v4;
	_ =	sdelay $0x3  }
0xba: {  	s19 =	simm.s32 $0xC100  }
0xbb: {  	[hbm4b:s3+s2] =	stream.indirect_vreg.scatter [tilespmem:s19], [sflag:$0x1], $0x80, v4, vm0, $0xb8;
	[tilespmem:$0x10100] =	vst v63  }
0xbc: {  	s20 =	simm.s32 $0xC900;
	v3 =	vperm.xlane v3, v2  }
0xbd: {  	[hbm4b:s4+s2] =	stream.indirect_vreg.scatter [tilespmem:s20], [sflag:$0x1], $0x80, v4, vm0, $0xb8;
	[tilespmem:$0x10100] =	vst v63  }
0xbe: {  	v3 =	vadd.s32 v1, v3;
	s19 =	simm.s32 $0xD100  }
0xbf: {  	[hbm4b:s5+s2] =	stream.indirect_vreg.scatter [tilespmem:s19], [sflag:$0x1], $0x80, v4, vm0, $0xb8;
	[tilespmem:$0x10100] =	vst v63  }
0xc0: {  	s20 =	simm.s32 $0xD900  }
0xc1: {  	[hbm4b:s6+s2] =	stream.indirect_vreg.scatter [tilespmem:s20], [sflag:$0x1], $0x80, v4, vm0, $0xb8;
	[tilespmem:$0x10100] =	vst v63  }
0xc2: {  	s19 =	simm.s32 $0xE100  }
0xc3: {  	[hbm4b:s3+s2] =	stream.indirect_vreg.scatter [tilespmem:s19], [sflag:$0x1], $0x80, v3, vm0, $0xb8;
	[tilespmem:$0x10100] =	vst v63  }
0xc4: {  	s20 =	simm.s32 $0xE900  }
0xc5: {  	[hbm4b:s4+s2] =	stream.indirect_vreg.scatter [tilespmem:s20], [sflag:$0x1], $0x80, v3, vm0, $0xb8;
	[tilespmem:$0x10100] =	vst v63  }
0xc6: {  	s19 =	simm.s32 $0xF100  }
0xc7: {  	[hbm4b:s5+s2] =	stream.indirect_vreg.scatter [tilespmem:s19], [sflag:$0x1], $0x80, v3, vm0, $0xb8;
	[tilespmem:$0x10100] =	vst v63  }
0xc8: {  	s20 =	simm.s32 $0x1  }
0xc9: {  	[hbm4b:s6+s2] =	stream.indirect_vreg.scatter [tilespmem:s0], [sflag:$0x1], $0x80, v3, vm0, $0xb8;
	[tilespmem:$0x10100] =	vst v63  }
0xca: {  	p0 =	sne.s32 s7, $0x1;
	_ =	swait.ge [sflag:s20], $0x10000  }
.Ltmp0:
0xcb: {  	[sflag:s20] =	ssyncset.done $0x0;
	(pc) =	sbr.rel @p0 .LBB2_1-.Ltmp0, $4  }
0xcc: {  	[sflag:s20] =	ssyncadd.s32 $0xFFFF0000  }
0xcd: {  	_ =	swait.ge [sflag:s20], $0x10000  }
0xce: {  	[sflag:s20] =	ssyncset.done $0x0  }
0xcf: {  	s7 =	sadd.s32 $0xFFFFFFFF, s7;
	[sflag:s20] =	ssyncadd.s32 $0xFFFF0000  }
0xd0: {  	_ =	sfence.sel $0x180000  }
0xd1: {  	[bflag:$0x0] =	sbarrier.arrive $0xFFFF  }
0xd2: {  	_ =	strace $0x90000047  }
0xd3: {  	s0 =	stileid.u32;
	[bflag:$0x2] =	sbarrier.arrive $0xFFFF  }
0xd4: {  	p0 =	sne.s32 s0, $0x0;
	s0 =	rddreg [dreg:$0x2]  }
0xd5: {  	s0 =	sadd.s32 @!p0 $0x100000, s0  }
0xd6: {  	[sflag:s0] =	ssyncadd.tile.s32 @!p0 $0x1;
	_ =	shalt  }
.Lfunc_end2:
_tile_overlayer_lowered:
.L_overlay_start_2:
0xd7: {  	(tag) =	ssettag $0x2  }
0xd8: {  	s0 =	rddreg [dreg:$0x0];
	s2 =	stileid.u32  }
0xd9: {  	s1 =	rddreg [dreg:$0x1];
	p0 =	sne.s32 s2, $0x0  }
0xda: {  	s3 =	rddreg [dreg:$0x2];
	[bflag:$0x3] =	sbarrier.arrive $0xFFFF;
	s2 =	simm.s32 @!p0 $0x1C02  }
0xdb: {  	[timem:s3], [sflag:s2] =	dma.local @!p0 [hbm:s0], s1  }
0xdc: {  	s0 =	simm.s32 @!p0 $0x2  }
0xdd: {  	_ =	swait.ge @!p0 [sflag:s0], s1  }
0xde: {  	s1 =	ssub.s32 @!p0 $0x0, s1;
	[sflag:s0] =	ssyncset.done @!p0 $0x0  }
0xdf: {  	[sflag:s0] =	ssyncadd.s32 @!p0 s1  }
0xe0: {  	[bflag:$0x3] =	sbarrier.arrive $0xFFFF  }
0xe1: {  	_ =	shalt  }

</sc_bundles>
